<compile_context>
chip_gen: v7x
topology: tpu7x:2x2x1
jax: 0.10.2.dev20260603
libtpu: 0.0.44.dev20260713+nightly
codegen_flags: <defaults>
</compile_context>

<pallas_src>
import jax
import jax.numpy as jnp
from jax import lax
from jax.experimental import pallas as pl
from jax.experimental.pallas import tpu as pltpu
from jax.experimental.pallas import tpu_sc as plsc

_N = 10000
_E = 320000
_NC = 2
_NS = 16
_NW = _NC * _NS
_EPW = _E // _NW
_CH = 128
_NCHUNK = 80
_EPW_PAD = _NCHUNK * _CH
_NPAIR = _NCHUNK // 2
_BLK = 8
_NBLK = _NCHUNK // _BLK
_NP = _N + 8
_RPT = 624
_RPT_LAST = _N - (_NS - 1) * _RPT

_mesh = plsc.VectorSubcoreMesh(core_axis_name="c", subcore_axis_name="s")


def _per_tile_rows(s, fn):

    @pl.when(s < _NS - 1)
    def _():
        fn(s * _RPT, _RPT)

    @pl.when(s == _NS - 1)
    def _():
        fn((_NS - 1) * _RPT, _RPT_LAST)


def _deg_body(dstw_hbm, ones_hbm, onesc_hbm, out_hbm, dblk, ones_v, tmp, sem):
    del sem
    c = lax.axis_index("c")
    s = lax.axis_index("s")
    wid = c * _NS + s
    _per_tile_rows(s, lambda r0, nr: pltpu.sync_copy(
        ones_hbm.at[pl.ds(r0, nr)], tmp.at[pl.ds(r0, nr)]))
    pltpu.sync_copy(onesc_hbm, ones_v)
    plsc.subcore_barrier()

    def block(b, carry):
        pltpu.sync_copy(dstw_hbm.at[wid, pl.ds(b * _BLK, _BLK)], dblk)
        for k in range(_BLK):
            pltpu.sync_copy(ones_v, tmp.at[dblk.at[k]], add=True)
        return carry

    lax.fori_loop(0, _NBLK, block, 0)
    plsc.subcore_barrier()
    _per_tile_rows(s, lambda r0, nr: pltpu.sync_copy(
        tmp.at[pl.ds(r0, nr)], out_hbm.at[c, pl.ds(r0, nr)]))


_deg_call = pl.kernel(
    _deg_body,
    out_type=jax.ShapeDtypeStruct((_NC, _N, 16), jnp.float32),
    mesh=_mesh,
    scratch_types=[
        pltpu.VMEM((_BLK, _CH), jnp.int32),
        pltpu.VMEM((_CH, 16), jnp.float32),
        pltpu.VMEM_SHARED((_NP, 16), jnp.float32),
        pltpu.SemaphoreType.DMA,
    ],
)


_SCH = 80
_SNCH = _EPW // _SCH


def _scat_body(u_hbm, src_hbm, dst_hbm, out_hbm, src_v, dst_v, rows_v,
               tmp, sem):
    c = lax.axis_index("c")
    s = lax.axis_index("s")
    wid = c * _NS + s
    _per_tile_rows(s, lambda r0, nr: pltpu.sync_copy(
        u_hbm.at[pl.ds(r0, nr)], tmp.at[pl.ds(r0, nr)]))
    plsc.subcore_barrier()
    base = wid * _EPW_PAD

    def chunk(i, carry):
        sl = pl.ds(base + i * _SCH, _SCH)
        pltpu.sync_copy(src_hbm.at[sl], src_v)
        pltpu.sync_copy(dst_hbm.at[sl], dst_v)
        pltpu.async_copy(u_hbm.at[src_v], rows_v, sem).wait()
        pltpu.sync_copy(rows_v, tmp.at[dst_v], add=True)
        return carry

    lax.fori_loop(0, _SNCH, chunk, 0)
    plsc.subcore_barrier()
    _per_tile_rows(s, lambda r0, nr: pltpu.sync_copy(
        tmp.at[pl.ds(r0, nr)], out_hbm.at[c, pl.ds(r0, nr)]))


_scat_call = pl.kernel(
    _scat_body,
    out_type=jax.ShapeDtypeStruct((_NC, _N, 128), jnp.float32),
    mesh=_mesh,
    scratch_types=[
        pltpu.VMEM((_SCH,), jnp.int32),
        pltpu.VMEM((_SCH,), jnp.int32),
        pltpu.VMEM((_SCH, 128), jnp.float32),
        pltpu.VMEM_SHARED((_NP, 128), jnp.float32),
        pltpu.SemaphoreType.DMA,
    ],
)


def _elu(v):
    return jnp.where(v > 0, v, jnp.exp(jnp.minimum(v, 0.0)) - 1.0)


def _store_u(u_ref, val):
    u_ref[pl.ds(0, _N), :] = val
    u_ref[pl.ds(_N, _NP - _N), :] = jnp.zeros((_NP - _N, 128), jnp.float32)


def _tc_a_body(degp_ref, x_ref, w1_ref, dinv_ref, u1_ref):
    deg = degp_ref[0, :, 0:1] + degp_ref[1, :, 0:1] - 1.0
    dinv = lax.rsqrt(deg)
    dinv_ref[...] = dinv
    h = jnp.dot(x_ref[...], w1_ref[...], preferred_element_type=jnp.float32)
    _store_u(u1_ref, dinv * h)


_tc_a = pl.pallas_call(
    _tc_a_body,
    out_shape=(
        jax.ShapeDtypeStruct((_N, 1), jnp.float32),
        jax.ShapeDtypeStruct((_NP, 128), jnp.float32),
    ),
)


def _tc_b_body(agg_ref, u1_ref, b1_ref, dinv_ref, w2_ref, x1_ref, u2_ref):
    dinv = dinv_ref[...]
    u1 = u1_ref[pl.ds(0, _N), :]
    x1 = _elu(dinv * (agg_ref[0] + agg_ref[1] - u1) + b1_ref[...])
    x1_ref[...] = x1
    h2 = jnp.dot(x1, w2_ref[...], preferred_element_type=jnp.float32)
    _store_u(u2_ref, dinv * h2)


_tc_b = pl.pallas_call(
    _tc_b_body,
    out_shape=(
        jax.ShapeDtypeStruct((_N, 128), jnp.float32),
        jax.ShapeDtypeStruct((_NP, 128), jnp.float32),
    ),
)


def _tc_c_body(agg_ref, u2_ref, b2_ref, dinv_ref, x1_ref, wres_ref, uc_ref):
    dinv = dinv_ref[...]
    u2 = u2_ref[pl.ds(0, _N), :]
    x2 = _elu(dinv * (agg_ref[0] + agg_ref[1] - u2) + b2_ref[...])
    xc = x2 + wres_ref[0, 0] * x1_ref[...]
    _store_u(uc_ref, dinv * xc)


_tc_c = pl.pallas_call(
    _tc_c_body,
    out_shape=jax.ShapeDtypeStruct((_NP, 128), jnp.float32),
)


def _tc_d_body(agg_ref, uc_ref, dinv_ref, wmu_ref, bmu_ref, wls_ref, bls_ref,
               mu_ref, ls_ref):
    dinv = dinv_ref[...]
    s = dinv * (agg_ref[0] + agg_ref[1] - uc_ref[pl.ds(0, _N), :])
    mu_ref[...] = jnp.dot(s, wmu_ref[...],
                          preferred_element_type=jnp.float32) + bmu_ref[...]
    ls_ref[...] = jnp.dot(s, wls_ref[...],
                          preferred_element_type=jnp.float32) + bls_ref[...]


_tc_d = pl.pallas_call(
    _tc_d_body,
    out_shape=(
        jax.ShapeDtypeStruct((_N, 64), jnp.float32),
        jax.ShapeDtypeStruct((_N, 64), jnp.float32),
    ),
)


def kernel(x, edge_index, W1, b1, W2, b2, W_mu, b_mu, W_ls, b_ls, w_res):
    pad = jnp.full((_NW, _EPW_PAD - _EPW), _N, jnp.int32)
    src = jnp.concatenate(
        [edge_index[0].astype(jnp.int32).reshape(_NW, _EPW), pad],
        axis=1).reshape(_NW, _NCHUNK, _CH)
    dst = jnp.concatenate(
        [edge_index[1].astype(jnp.int32).reshape(_NW, _EPW), pad],
        axis=1).reshape(_NW, _NCHUNK, _CH)
    src1 = src.reshape(-1)
    dst1 = dst.reshape(-1)
    ones16 = jnp.ones((_N, 16), jnp.float32)
    onesc = jnp.ones((_CH, 16), jnp.float32)

    degp = _deg_call(dst, ones16, onesc)
    dinv, u1 = _tc_a(degp, x, W1)

    agg1 = _scat_call(u1, src1, dst1)
    x1, u2 = _tc_b(agg1, u1, b1.reshape(1, -1), dinv, W2)

    agg2 = _scat_call(u2, src1, dst1)
    uc = _tc_c(agg2, u2, b2.reshape(1, -1), dinv, x1, w_res.reshape(1, 1))

    agg3 = _scat_call(uc, src1, dst1)
    mu, ls = _tc_d(agg3, uc, dinv, W_mu, b_mu.reshape(1, -1),
                   W_ls, b_ls.reshape(1, -1))
    return (mu, ls)

# --- scband reference (transcript-rebuilt; emitter-appended) ---
"""Pipeline reference for scband-custom-vgaeencoder-65996467470909 (READ-ONLY COPY).

The authoritative reference and input builder live on the scoring server;
editing this copy changes nothing except your own understanding.
"""

import jax, jax.numpy as jnp
import numpy as np

N = 10000
E = 320000
D_IN = 128
D_H = 128
D_OUT = 64


def setup_inputs(seed: int = 0) -> dict:
    key = jax.random.key(seed)
    ks = [jax.random.fold_in(key, i) for i in range(8)]
    x = jax.random.normal(ks[0], (N, D_IN), dtype=jnp.float32)
    edge_index = jax.random.randint(ks[1], (2, E), 0, N, dtype=jnp.int64)
    W1 = jax.random.normal(ks[2], (D_IN, D_H), dtype=jnp.float32) * (1.0 / np.sqrt(D_IN))
    b1 = jnp.zeros((D_H,), dtype=jnp.float32)
    W2 = jax.random.normal(ks[3], (D_H, D_H), dtype=jnp.float32) * (1.0 / np.sqrt(D_H))
    b2 = jnp.zeros((D_H,), dtype=jnp.float32)
    W_mu = jax.random.normal(ks[4], (D_H, D_OUT), dtype=jnp.float32) * (1.0 / np.sqrt(D_H))
    b_mu = jnp.zeros((D_OUT,), dtype=jnp.float32)
    W_ls = jax.random.normal(ks[5], (D_H, D_OUT), dtype=jnp.float32) * (1.0 / np.sqrt(D_H))
    b_ls = jnp.zeros((D_OUT,), dtype=jnp.float32)
    w_res = jnp.ones((1,), dtype=jnp.float32)
    return {"x": x, "edge_index": edge_index, "W1": W1, "b1": b1, "W2": W2, "b2": b2,
            "W_mu": W_mu, "b_mu": b_mu, "W_ls": W_ls, "b_ls": b_ls, "w_res": w_res}


def gcn_conv(x, edge_index, W, b):
    # PyG-style GCNConv: add self-loops, symmetric normalization, scatter-add aggregation
    n = x.shape[0]
    loops = jnp.arange(n, dtype=edge_index.dtype)
    src = jnp.concatenate([edge_index[0], loops])
    dst = jnp.concatenate([edge_index[1], loops])
    deg = jnp.zeros((n,), dtype=x.dtype).at[dst].add(1.0)
    deg_inv_sqrt = jnp.where(deg > 0, deg ** -0.5, 0.0)
    norm = deg_inv_sqrt[src] * deg_inv_sqrt[dst]
    h = x @ W
    msg = h[src] * norm[:, None]
    out = jnp.zeros((n, W.shape[1]), dtype=x.dtype).at[dst].add(msg)
    return out + b


def reference(x, edge_index, W1, b1, W2, b2, W_mu, b_mu, W_ls, b_ls, w_res):
    # Dropout is identity in eval mode
    x1 = jax.nn.elu(gcn_conv(x, edge_index, W1, b1))
    x2 = jax.nn.elu(gcn_conv(x1, edge_index, W2, b2))
    x_combined = x2 + w_res * x1
    mu = gcn_conv(x_combined, edge_index, W_mu, b_mu)
    logstd = gcn_conv(x_combined, edge_index, W_ls, b_ls)
    return (mu, logstd)

if __name__ == "__main__":
    import jax
    _d = setup_inputs()
    print(jax.jit(kernel)(*tuple(_d.values())))

</pallas_src>

<mosaic_0001>
#map = affine_map<(d0, d1) -> (0, 0)>
#map1 = affine_map<(d0, d1) -> (0)>
#map2 = affine_map<(d0, d1) -> (0, 0, 0)>
module attributes {stable_mosaic.version = 14 : i64} {
  func.func @_scat_body(%arg0: i32, %arg1: i32, %arg2: memref<10008x128xf32, #tpu.memory_space<hbm>>, %arg3: memref<327680xi32, #tpu.memory_space<hbm>>, %arg4: memref<327680xi32, #tpu.memory_space<hbm>>, %arg5: memref<2x10000x128xf32, #tpu.memory_space<hbm>>, %arg6: memref<80xi32, #tpu.memory_space<vmem>>, %arg7: memref<80xi32, #tpu.memory_space<vmem>>, %arg8: memref<80x128xf32, #tpu.memory_space<vmem>>, %arg9: memref<10008x128xf32, #tpu.memory_space<vmem_shared>>, %arg10: memref<!tpu.dma_semaphore, #tpu.memory_space<semaphore_mem>>) attributes {dimension_semantics = [#tpu.dimension_semantics<core_parallel>, #tpu.dimension_semantics<subcore_parallel>], iteration_bounds = array<i64: 2, 16>, scalar_prefetch = 0 : i64, scratch_operands = 5 : i64, tpu.core_type = #tpu.core_type<sc_vector_subcore>, window_params = [{transform_indices = #map}, {transform_indices = #map1}, {transform_indices = #map1}, {transform_indices = #map2}]} {
    %mul3A = arith.constant 16 : i32
    %mul3A_0 = arith.muli %arg0, %mul3A : i32
    %add3A = arith.addi %mul3A_0, %arg1 : i32
    %lt3A = arith.constant 15 : i32
    %lt3A_1 = arith.cmpi slt, %arg1, %lt3A : i32
    %convert_element_type3A = arith.extui %lt3A_1 : i1 to i32
    %cond3A = arith.constant 0 : i32
    %cond3A_2 = arith.cmpi ne, %convert_element_type3A, %cond3A : i32
    scf.if %cond3A_2 {
      %mul3A_25 = arith.constant 624 : i32
      %mul3A_26 = arith.muli %arg1, %mul3A_25 : i32
      "tpu.region"() ({
        %run_scoped3A = tpu.sem_alloc : memref<!tpu.dma_semaphore, #tpu.memory_space<semaphore_mem>>
        %dma_start3A = arith.constant 0 : i32
        %dma_start3A_27 = tpu.memref_slice %arg9[%mul3A_26, %dma_start3A] : memref<10008x128xf32, #tpu.memory_space<vmem_shared>> -> memref<624x128xf32, #tpu.memory_space<vmem_shared>>
        %dma_start3A_28 = arith.constant 0 : i32
        %dma_start3A_29 = tpu.memref_slice %arg2[%mul3A_26, %dma_start3A_28] : memref<10008x128xf32, #tpu.memory_space<hbm>> -> memref<624x128xf32, #tpu.memory_space<hbm>>
        tpu.enqueue_dma source(%dma_start3A_29 : memref<624x128xf32, #tpu.memory_space<hbm>>) target(%dma_start3A_27 : memref<624x128xf32, #tpu.memory_space<vmem_shared>>) target_semaphore(%run_scoped3A : memref<!tpu.dma_semaphore, #tpu.memory_space<semaphore_mem>>)
        %dma_wait3A = arith.constant 0 : i32
        %dma_wait3A_30 = tpu.memref_slice %arg9[%mul3A_26, %dma_wait3A] : memref<10008x128xf32, #tpu.memory_space<vmem_shared>> -> memref<624x128xf32, #tpu.memory_space<vmem_shared>>
        %dma_wait3A_31 = arith.constant 0 : i32
        %dma_wait3A_32 = tpu.memref_slice %arg2[%mul3A_26, %dma_wait3A_31] : memref<10008x128xf32, #tpu.memory_space<hbm>> -> memref<624x128xf32, #tpu.memory_space<hbm>>
        tpu.wait_dma2 semaphore(%run_scoped3A : memref<!tpu.dma_semaphore, #tpu.memory_space<semaphore_mem>>) src(%dma_wait3A_32 : memref<624x128xf32, #tpu.memory_space<hbm>>) dst(%dma_wait3A_30 : memref<624x128xf32, #tpu.memory_space<vmem_shared>>)
        tpu.yield
      }) : () -> ()
    } else {
    }
    %eq3A = arith.constant 15 : i32
    %eq3A_3 = arith.cmpi eq, %arg1, %eq3A : i32
    %convert_element_type3A_4 = arith.extui %eq3A_3 : i1 to i32
    %cond3A_5 = arith.constant 0 : i32
    %cond3A_6 = arith.cmpi ne, %convert_element_type3A_4, %cond3A_5 : i32
    scf.if %cond3A_6 {
      "tpu.region"() ({
        %run_scoped3A = tpu.sem_alloc : memref<!tpu.dma_semaphore, #tpu.memory_space<semaphore_mem>>
        %dma_start3A = arith.constant 9360 : i32
        %dma_start3A_25 = arith.constant 0 : i32
        %dma_start3A_26 = tpu.memref_slice %arg9[%dma_start3A, %dma_start3A_25] : memref<10008x128xf32, #tpu.memory_space<vmem_shared>> -> memref<640x128xf32, #tpu.memory_space<vmem_shared>>
        %dma_start3A_27 = arith.constant 9360 : i32
        %dma_start3A_28 = arith.constant 0 : i32
        %dma_start3A_29 = tpu.memref_slice %arg2[%dma_start3A_27, %dma_start3A_28] : memref<10008x128xf32, #tpu.memory_space<hbm>> -> memref<640x128xf32, #tpu.memory_space<hbm>>
        tpu.enqueue_dma source(%dma_start3A_29 : memref<640x128xf32, #tpu.memory_space<hbm>>) target(%dma_start3A_26 : memref<640x128xf32, #tpu.memory_space<vmem_shared>>) target_semaphore(%run_scoped3A : memref<!tpu.dma_semaphore, #tpu.memory_space<semaphore_mem>>)
        %dma_wait3A = arith.constant 9360 : i32
        %dma_wait3A_30 = arith.constant 0 : i32
        %dma_wait3A_31 = tpu.memref_slice %arg9[%dma_wait3A, %dma_wait3A_30] : memref<10008x128xf32, #tpu.memory_space<vmem_shared>> -> memref<640x128xf32, #tpu.memory_space<vmem_shared>>
        %dma_wait3A_32 = arith.constant 9360 : i32
        %dma_wait3A_33 = arith.constant 0 : i32
        %dma_wait3A_34 = tpu.memref_slice %arg2[%dma_wait3A_32, %dma_wait3A_33] : memref<10008x128xf32, #tpu.memory_space<hbm>> -> memref<640x128xf32, #tpu.memory_space<hbm>>
        tpu.wait_dma2 semaphore(%run_scoped3A : memref<!tpu.dma_semaphore, #tpu.memory_space<semaphore_mem>>) src(%dma_wait3A_34 : memref<640x128xf32, #tpu.memory_space<hbm>>) dst(%dma_wait3A_31 : memref<640x128xf32, #tpu.memory_space<vmem_shared>>)
        tpu.yield
      }) : () -> ()
    } else {
    }
    %barrier3A = arith.constant 0 : index
    tpu.barrier barrier_id(%barrier3A)
    %mul3A_7 = arith.constant 10240 : i32
    %mul3A_8 = arith.muli %add3A, %mul3A_7 : i32
    %scan3A = arith.constant 0 : i32
    %scan3A_9 = arith.constant 0 : i32
    %scan3A_10 = arith.constant 125 : i32
    %scan3A_11 = arith.addi %scan3A_9, %scan3A_10 : i32
    %scan3A_12 = arith.constant 1 : i32
    scf.for %scan3A_25 = %scan3A_9 to %scan3A_11 step %scan3A_12  : i32 {
      %mul3A_26 = arith.constant 80 : i32
      %mul3A_27 = arith.muli %scan3A_25, %mul3A_26 : i32
      %add3A_28 = arith.addi %mul3A_8, %mul3A_27 : i32
      "tpu.region"() ({
        %run_scoped3A = tpu.sem_alloc : memref<!tpu.dma_semaphore, #tpu.memory_space<semaphore_mem>>
        %dma_start3A_33 = tpu.memref_slice %arg3[%add3A_28] : memref<327680xi32, #tpu.memory_space<hbm>> -> memref<80xi32, #tpu.memory_space<hbm>>
        %dma_start3A_34 = tpu.memref_slice %arg3[%add3A_28] : memref<327680xi32, #tpu.memory_space<hbm>> -> memref<80xi32, #tpu.memory_space<hbm>>
        tpu.enqueue_dma source(%dma_start3A_34 : memref<80xi32, #tpu.memory_space<hbm>>) target(%arg6 : memref<80xi32, #tpu.memory_space<vmem>>) target_semaphore(%run_scoped3A : memref<!tpu.dma_semaphore, #tpu.memory_space<semaphore_mem>>)
        %dma_wait3A_35 = tpu.memref_slice %arg3[%add3A_28] : memref<327680xi32, #tpu.memory_space<hbm>> -> memref<80xi32, #tpu.memory_space<hbm>>
        %dma_wait3A_36 = tpu.memref_slice %arg3[%add3A_28] : memref<327680xi32, #tpu.memory_space<hbm>> -> memref<80xi32, #tpu.memory_space<hbm>>
        tpu.wait_dma2 semaphore(%run_scoped3A : memref<!tpu.dma_semaphore, #tpu.memory_space<semaphore_mem>>) src(%dma_wait3A_36 : memref<80xi32, #tpu.memory_space<hbm>>) dst(%arg6 : memref<80xi32, #tpu.memory_space<vmem>>)
        tpu.yield
      }) : () -> ()
      "tpu.region"() ({
        %run_scoped3A = tpu.sem_alloc : memref<!tpu.dma_semaphore, #tpu.memory_space<semaphore_mem>>
        %dma_start3A_33 = tpu.memref_slice %arg4[%add3A_28] : memref<327680xi32, #tpu.memory_space<hbm>> -> memref<80xi32, #tpu.memory_space<hbm>>
        %dma_start3A_34 = tpu.memref_slice %arg4[%add3A_28] : memref<327680xi32, #tpu.memory_space<hbm>> -> memref<80xi32, #tpu.memory_space<hbm>>
        tpu.enqueue_dma source(%dma_start3A_34 : memref<80xi32, #tpu.memory_space<hbm>>) target(%arg7 : memref<80xi32, #tpu.memory_space<vmem>>) target_semaphore(%run_scoped3A : memref<!tpu.dma_semaphore, #tpu.memory_space<semaphore_mem>>)
        %dma_wait3A_35 = tpu.memref_slice %arg4[%add3A_28] : memref<327680xi32, #tpu.memory_space<hbm>> -> memref<80xi32, #tpu.memory_space<hbm>>
        %dma_wait3A_36 = tpu.memref_slice %arg4[%add3A_28] : memref<327680xi32, #tpu.memory_space<hbm>> -> memref<80xi32, #tpu.memory_space<hbm>>
        tpu.wait_dma2 semaphore(%run_scoped3A : memref<!tpu.dma_semaphore, #tpu.memory_space<semaphore_mem>>) src(%dma_wait3A_36 : memref<80xi32, #tpu.memory_space<hbm>>) dst(%arg7 : memref<80xi32, #tpu.memory_space<vmem>>)
        tpu.yield
      }) : () -> ()
      %dma_start3A = arith.constant 0 : i32
      %dma_start3A_29 = arith.constant 0 : i32
      %dma_start3A_30 = tpu.memref_slice %arg2[%dma_start3A, %dma_start3A_29] : memref<10008x128xf32, #tpu.memory_space<hbm>> -> memref<10008x128xf32, #tpu.memory_space<hbm>>
      tpu.enqueue_indirect_dma source(%dma_start3A_30 : memref<10008x128xf32, #tpu.memory_space<hbm>>) target(%arg8 : memref<80x128xf32, #tpu.memory_space<vmem>>) offsets(%arg6 : memref<80xi32, #tpu.memory_space<vmem>>) semaphore(%arg10 : memref<!tpu.dma_semaphore, #tpu.memory_space<semaphore_mem>>)
      %dma_wait3A = arith.constant 0 : i32
      %dma_wait3A_31 = arith.constant 0 : i32
      %dma_wait3A_32 = tpu.memref_slice %arg2[%dma_wait3A, %dma_wait3A_31] : memref<10008x128xf32, #tpu.memory_space<hbm>> -> memref<10008x128xf32, #tpu.memory_space<hbm>>
      tpu.wait_indirect_dma semaphore(%arg10 : memref<!tpu.dma_semaphore, #tpu.memory_space<semaphore_mem>>) src(%dma_wait3A_32 : memref<10008x128xf32, #tpu.memory_space<hbm>>) dst(%arg8 : memref<80x128xf32, #tpu.memory_space<vmem>>)
      "tpu.region"() ({
        %run_scoped3A = tpu.sem_alloc : memref<!tpu.dma_semaphore, #tpu.memory_space<semaphore_mem>>
        %dma_start3A_33 = arith.constant 0 : i32
        %dma_start3A_34 = arith.constant 0 : i32
        %dma_start3A_35 = tpu.memref_slice %arg9[%dma_start3A_33, %dma_start3A_34] : memref<10008x128xf32, #tpu.memory_space<vmem_shared>> -> memref<10008x128xf32, #tpu.memory_space<vmem_shared>>
        tpu.enqueue_indirect_dma source(%arg8 : memref<80x128xf32, #tpu.memory_space<vmem>>) target(%dma_start3A_35 : memref<10008x128xf32, #tpu.memory_space<vmem_shared>>) offsets(%arg7 : memref<80xi32, #tpu.memory_space<vmem>>) semaphore(%run_scoped3A : memref<!tpu.dma_semaphore, #tpu.memory_space<semaphore_mem>>) {add = true}
        %dma_wait3A_36 = arith.constant 0 : i32
        %dma_wait3A_37 = arith.constant 0 : i32
        %dma_wait3A_38 = tpu.memref_slice %arg9[%dma_wait3A_36, %dma_wait3A_37] : memref<10008x128xf32, #tpu.memory_space<vmem_shared>> -> memref<10008x128xf32, #tpu.memory_space<vmem_shared>>
        tpu.wait_indirect_dma semaphore(%run_scoped3A : memref<!tpu.dma_semaphore, #tpu.memory_space<semaphore_mem>>) src(%arg8 : memref<80x128xf32, #tpu.memory_space<vmem>>) dst(%dma_wait3A_38 : memref<10008x128xf32, #tpu.memory_space<vmem_shared>>)
        tpu.yield
      }) : () -> ()
    }
    %scan3A_13 = arith.constant 125 : i32
    %barrier3A_14 = arith.constant 0 : index
    tpu.barrier barrier_id(%barrier3A_14)
    %lt3A_15 = arith.constant 15 : i32
    %lt3A_16 = arith.cmpi slt, %arg1, %lt3A_15 : i32
    %convert_element_type3A_17 = arith.extui %lt3A_16 : i1 to i32
    %cond3A_18 = arith.constant 0 : i32
    %cond3A_19 = arith.cmpi ne, %convert_element_type3A_17, %cond3A_18 : i32
    scf.if %cond3A_19 {
      %mul3A_25 = arith.constant 624 : i32
      %mul3A_26 = arith.muli %arg1, %mul3A_25 : i32
      "tpu.region"() ({
        %run_scoped3A = tpu.sem_alloc : memref<!tpu.dma_semaphore, #tpu.memory_space<semaphore_mem>>
        %dma_start3A = arith.constant 0 : i32
        %dma_start3A_27 = tpu.memref_slice %arg5[%arg0, %mul3A_26, %dma_start3A] : memref<2x10000x128xf32, #tpu.memory_space<hbm>> -> memref<1x624x128xf32, #tpu.memory_space<hbm>>
        %dma_start3A_28 = tpu.memref_squeeze %dma_start3A_27 : memref<1x624x128xf32, #tpu.memory_space<hbm>> -> memref<624x128xf32, #tpu.memory_space<hbm>>
        %dma_start3A_29 = arith.constant 0 : i32
        %dma_start3A_30 = tpu.memref_slice %arg9[%mul3A_26, %dma_start3A_29] : memref<10008x128xf32, #tpu.memory_space<vmem_shared>> -> memref<624x128xf32, #tpu.memory_space<vmem_shared>>
        tpu.enqueue_dma source(%dma_start3A_30 : memref<624x128xf32, #tpu.memory_space<vmem_shared>>) target(%dma_start3A_28 : memref<624x128xf32, #tpu.memory_space<hbm>>) target_semaphore(%run_scoped3A : memref<!tpu.dma_semaphore, #tpu.memory_space<semaphore_mem>>)
        %dma_wait3A = arith.constant 0 : i32
        %dma_wait3A_31 = tpu.memref_slice %arg5[%arg0, %mul3A_26, %dma_wait3A] : memref<2x10000x128xf32, #tpu.memory_space<hbm>> -> memref<1x624x128xf32, #tpu.memory_space<hbm>>
        %dma_wait3A_32 = tpu.memref_squeeze %dma_wait3A_31 : memref<1x624x128xf32, #tpu.memory_space<hbm>> -> memref<624x128xf32, #tpu.memory_space<hbm>>
        %dma_wait3A_33 = arith.constant 0 : i32
        %dma_wait3A_34 = tpu.memref_slice %arg9[%mul3A_26, %dma_wait3A_33] : memref<10008x128xf32, #tpu.memory_space<vmem_shared>> -> memref<624x128xf32, #tpu.memory_space<vmem_shared>>
        tpu.wait_dma2 semaphore(%run_scoped3A : memref<!tpu.dma_semaphore, #tpu.memory_space<semaphore_mem>>) src(%dma_wait3A_34 : memref<624x128xf32, #tpu.memory_space<vmem_shared>>) dst(%dma_wait3A_32 : memref<624x128xf32, #tpu.memory_space<hbm>>)
        tpu.yield
      }) : () -> ()
    } else {
    }
    %eq3A_20 = arith.constant 15 : i32
    %eq3A_21 = arith.cmpi eq, %arg1, %eq3A_20 : i32
    %convert_element_type3A_22 = arith.extui %eq3A_21 : i1 to i32
    %cond3A_23 = arith.constant 0 : i32
    %cond3A_24 = arith.cmpi ne, %convert_element_type3A_22, %cond3A_23 : i32
    scf.if %cond3A_24 {
      "tpu.region"() ({
        %run_scoped3A = tpu.sem_alloc : memref<!tpu.dma_semaphore, #tpu.memory_space<semaphore_mem>>
        %dma_start3A = arith.constant 9360 : i32
        %dma_start3A_25 = arith.constant 0 : i32
        %dma_start3A_26 = tpu.memref_slice %arg5[%arg0, %dma_start3A, %dma_start3A_25] : memref<2x10000x128xf32, #tpu.memory_space<hbm>> -> memref<1x640x128xf32, #tpu.memory_space<hbm>>
        %dma_start3A_27 = tpu.memref_squeeze %dma_start3A_26 : memref<1x640x128xf32, #tpu.memory_space<hbm>> -> memref<640x128xf32, #tpu.memory_space<hbm>>
        %dma_start3A_28 = arith.constant 9360 : i32
        %dma_start3A_29 = arith.constant 0 : i32
        %dma_start3A_30 = tpu.memref_slice %arg9[%dma_start3A_28, %dma_start3A_29] : memref<10008x128xf32, #tpu.memory_space<vmem_shared>> -> memref<640x128xf32, #tpu.memory_space<vmem_shared>>
        tpu.enqueue_dma source(%dma_start3A_30 : memref<640x128xf32, #tpu.memory_space<vmem_shared>>) target(%dma_start3A_27 : memref<640x128xf32, #tpu.memory_space<hbm>>) target_semaphore(%run_scoped3A : memref<!tpu.dma_semaphore, #tpu.memory_space<semaphore_mem>>)
        %dma_wait3A = arith.constant 9360 : i32
        %dma_wait3A_31 = arith.constant 0 : i32
        %dma_wait3A_32 = tpu.memref_slice %arg5[%arg0, %dma_wait3A, %dma_wait3A_31] : memref<2x10000x128xf32, #tpu.memory_space<hbm>> -> memref<1x640x128xf32, #tpu.memory_space<hbm>>
        %dma_wait3A_33 = tpu.memref_squeeze %dma_wait3A_32 : memref<1x640x128xf32, #tpu.memory_space<hbm>> -> memref<640x128xf32, #tpu.memory_space<hbm>>
        %dma_wait3A_34 = arith.constant 9360 : i32
        %dma_wait3A_35 = arith.constant 0 : i32
        %dma_wait3A_36 = tpu.memref_slice %arg9[%dma_wait3A_34, %dma_wait3A_35] : memref<10008x128xf32, #tpu.memory_space<vmem_shared>> -> memref<640x128xf32, #tpu.memory_space<vmem_shared>>
        tpu.wait_dma2 semaphore(%run_scoped3A : memref<!tpu.dma_semaphore, #tpu.memory_space<semaphore_mem>>) src(%dma_wait3A_36 : memref<640x128xf32, #tpu.memory_space<vmem_shared>>) dst(%dma_wait3A_33 : memref<640x128xf32, #tpu.memory_space<hbm>>)
        tpu.yield
      }) : () -> ()
    } else {
    }
    return
  }
}

#map = affine_map<(d0, d1) -> (0, 0)>
#map1 = affine_map<(d0, d1) -> (0)>
#map2 = affine_map<(d0, d1) -> (0, 0, 0)>
module attributes {stable_mosaic.version = 14 : i64} {
  func.func @_scat_body(%arg0: i32, %arg1: i32, %arg2: memref<10008x128xf32, #tpu.memory_space<hbm>>, %arg3: memref<327680xi32, #tpu.memory_space<hbm>>, %arg4: memref<327680xi32, #tpu.memory_space<hbm>>, %arg5: memref<2x10000x128xf32, #tpu.memory_space<hbm>>, %arg6: memref<80xi32, #tpu.memory_space<vmem>>, %arg7: memref<80xi32, #tpu.memory_space<vmem>>, %arg8: memref<80x128xf32, #tpu.memory_space<vmem>>, %arg9: memref<10008x128xf32, #tpu.memory_space<vmem_shared>>, %arg10: memref<!tpu.dma_semaphore, #tpu.memory_space<semaphore_mem>>) attributes {dimension_semantics = [#tpu.dimension_semantics<core_parallel>, #tpu.dimension_semantics<subcore_parallel>], iteration_bounds = array<i64: 2, 16>, scalar_prefetch = 0 : i64, scratch_operands = 5 : i64, tpu.core_type = #tpu.core_type<sc_vector_subcore>, window_params = [{transform_indices = #map}, {transform_indices = #map1}, {transform_indices = #map1}, {transform_indices = #map2}]} {
    %mul3A = arith.constant 16 : i32
    %mul3A_0 = arith.muli %arg0, %mul3A : i32
    %add3A = arith.addi %mul3A_0, %arg1 : i32
    %lt3A = arith.constant 15 : i32
    %lt3A_1 = arith.cmpi slt, %arg1, %lt3A : i32
    %convert_element_type3A = arith.extui %lt3A_1 : i1 to i32
    %cond3A = arith.constant 0 : i32
    %cond3A_2 = arith.cmpi ne, %convert_element_type3A, %cond3A : i32
    scf.if %cond3A_2 {
      %mul3A_25 = arith.constant 624 : i32
      %mul3A_26 = arith.muli %arg1, %mul3A_25 : i32
      "tpu.region"() ({
        %run_scoped3A = tpu.sem_alloc : memref<!tpu.dma_semaphore, #tpu.memory_space<semaphore_mem>>
        %dma_start3A = arith.constant 0 : i32
        %dma_start3A_27 = tpu.memref_slice %arg9[%mul3A_26, %dma_start3A] : memref<10008x128xf32, #tpu.memory_space<vmem_shared>> -> memref<624x128xf32, #tpu.memory_space<vmem_shared>>
        %dma_start3A_28 = arith.constant 0 : i32
        %dma_start3A_29 = tpu.memref_slice %arg2[%mul3A_26, %dma_start3A_28] : memref<10008x128xf32, #tpu.memory_space<hbm>> -> memref<624x128xf32, #tpu.memory_space<hbm>>
        tpu.enqueue_dma source(%dma_start3A_29 : memref<624x128xf32, #tpu.memory_space<hbm>>) target(%dma_start3A_27 : memref<624x128xf32, #tpu.memory_space<vmem_shared>>) target_semaphore(%run_scoped3A : memref<!tpu.dma_semaphore, #tpu.memory_space<semaphore_mem>>)
        %dma_wait3A = arith.constant 0 : i32
        %dma_wait3A_30 = tpu.memref_slice %arg9[%mul3A_26, %dma_wait3A] : memref<10008x128xf32, #tpu.memory_space<vmem_shared>> -> memref<624x128xf32, #tpu.memory_space<vmem_shared>>
        %dma_wait3A_31 = arith.constant 0 : i32
        %dma_wait3A_32 = tpu.memref_slice %arg2[%mul3A_26, %dma_wait3A_31] : memref<10008x128xf32, #tpu.memory_space<hbm>> -> memref<624x128xf32, #tpu.memory_space<hbm>>
        tpu.wait_dma2 semaphore(%run_scoped3A : memref<!tpu.dma_semaphore, #tpu.memory_space<semaphore_mem>>) src(%dma_wait3A_32 : memref<624x128xf32, #tpu.memory_space<hbm>>) dst(%dma_wait3A_30 : memref<624x128xf32, #tpu.memory_space<vmem_shared>>)
        tpu.yield
      }) : () -> ()
    } else {
    }
    %eq3A = arith.constant 15 : i32
    %eq3A_3 = arith.cmpi eq, %arg1, %eq3A : i32
    %convert_element_type3A_4 = arith.extui %eq3A_3 : i1 to i32
    %cond3A_5 = arith.constant 0 : i32
    %cond3A_6 = arith.cmpi ne, %convert_element_type3A_4, %cond3A_5 : i32
    scf.if %cond3A_6 {
      "tpu.region"() ({
        %run_scoped3A = tpu.sem_alloc : memref<!tpu.dma_semaphore, #tpu.memory_space<semaphore_mem>>
        %dma_start3A = arith.constant 9360 : i32
        %dma_start3A_25 = arith.constant 0 : i32
        %dma_start3A_26 = tpu.memref_slice %arg9[%dma_start3A, %dma_start3A_25] : memref<10008x128xf32, #tpu.memory_space<vmem_shared>> -> memref<640x128xf32, #tpu.memory_space<vmem_shared>>
        %dma_start3A_27 = arith.constant 9360 : i32
        %dma_start3A_28 = arith.constant 0 : i32
        %dma_start3A_29 = tpu.memref_slice %arg2[%dma_start3A_27, %dma_start3A_28] : memref<10008x128xf32, #tpu.memory_space<hbm>> -> memref<640x128xf32, #tpu.memory_space<hbm>>
        tpu.enqueue_dma source(%dma_start3A_29 : memref<640x128xf32, #tpu.memory_space<hbm>>) target(%dma_start3A_26 : memref<640x128xf32, #tpu.memory_space<vmem_shared>>) target_semaphore(%run_scoped3A : memref<!tpu.dma_semaphore, #tpu.memory_space<semaphore_mem>>)
        %dma_wait3A = arith.constant 9360 : i32
        %dma_wait3A_30 = arith.constant 0 : i32
        %dma_wait3A_31 = tpu.memref_slice %arg9[%dma_wait3A, %dma_wait3A_30] : memref<10008x128xf32, #tpu.memory_space<vmem_shared>> -> memref<640x128xf32, #tpu.memory_space<vmem_shared>>
        %dma_wait3A_32 = arith.constant 9360 : i32
        %dma_wait3A_33 = arith.constant 0 : i32
        %dma_wait3A_34 = tpu.memref_slice %arg2[%dma_wait3A_32, %dma_wait3A_33] : memref<10008x128xf32, #tpu.memory_space<hbm>> -> memref<640x128xf32, #tpu.memory_space<hbm>>
        tpu.wait_dma2 semaphore(%run_scoped3A : memref<!tpu.dma_semaphore, #tpu.memory_space<semaphore_mem>>) src(%dma_wait3A_34 : memref<640x128xf32, #tpu.memory_space<hbm>>) dst(%dma_wait3A_31 : memref<640x128xf32, #tpu.memory_space<vmem_shared>>)
        tpu.yield
      }) : () -> ()
    } else {
    }
    %barrier3A = arith.constant 0 : index
    tpu.barrier barrier_id(%barrier3A)
    %mul3A_7 = arith.constant 10240 : i32
    %mul3A_8 = arith.muli %add3A, %mul3A_7 : i32
    %scan3A = arith.constant 0 : i32
    %scan3A_9 = arith.constant 0 : i32
    %scan3A_10 = arith.constant 125 : i32
    %scan3A_11 = arith.addi %scan3A_9, %scan3A_10 : i32
    %scan3A_12 = arith.constant 1 : i32
    scf.for %scan3A_25 = %scan3A_9 to %scan3A_11 step %scan3A_12  : i32 {
      %mul3A_26 = arith.constant 80 : i32
      %mul3A_27 = arith.muli %scan3A_25, %mul3A_26 : i32
      %add3A_28 = arith.addi %mul3A_8, %mul3A_27 : i32
      "tpu.region"() ({
        %run_scoped3A = tpu.sem_alloc : memref<!tpu.dma_semaphore, #tpu.memory_space<semaphore_mem>>
        %dma_start3A_33 = tpu.memref_slice %arg3[%add3A_28] : memref<327680xi32, #tpu.memory_space<hbm>> -> memref<80xi32, #tpu.memory_space<hbm>>
        %dma_start3A_34 = tpu.memref_slice %arg3[%add3A_28] : memref<327680xi32, #tpu.memory_space<hbm>> -> memref<80xi32, #tpu.memory_space<hbm>>
        tpu.enqueue_dma source(%dma_start3A_34 : memref<80xi32, #tpu.memory_space<hbm>>) target(%arg6 : memref<80xi32, #tpu.memory_space<vmem>>) target_semaphore(%run_scoped3A : memref<!tpu.dma_semaphore, #tpu.memory_space<semaphore_mem>>)
        %dma_wait3A_35 = tpu.memref_slice %arg3[%add3A_28] : memref<327680xi32, #tpu.memory_space<hbm>> -> memref<80xi32, #tpu.memory_space<hbm>>
        %dma_wait3A_36 = tpu.memref_slice %arg3[%add3A_28] : memref<327680xi32, #tpu.memory_space<hbm>> -> memref<80xi32, #tpu.memory_space<hbm>>
        tpu.wait_dma2 semaphore(%run_scoped3A : memref<!tpu.dma_semaphore, #tpu.memory_space<semaphore_mem>>) src(%dma_wait3A_36 : memref<80xi32, #tpu.memory_space<hbm>>) dst(%arg6 : memref<80xi32, #tpu.memory_space<vmem>>)
        tpu.yield
      }) : () -> ()
      "tpu.region"() ({
        %run_scoped3A = tpu.sem_alloc : memref<!tpu.dma_semaphore, #tpu.memory_space<semaphore_mem>>
        %dma_start3A_33 = tpu.memref_slice %arg4[%add3A_28] : memref<327680xi32, #tpu.memory_space<hbm>> -> memref<80xi32, #tpu.memory_space<hbm>>
        %dma_start3A_34 = tpu.memref_slice %arg4[%add3A_28] : memref<327680xi32, #tpu.memory_space<hbm>> -> memref<80xi32, #tpu.memory_space<hbm>>
        tpu.enqueue_dma source(%dma_start3A_34 : memref<80xi32, #tpu.memory_space<hbm>>) target(%arg7 : memref<80xi32, #tpu.memory_space<vmem>>) target_semaphore(%run_scoped3A : memref<!tpu.dma_semaphore, #tpu.memory_space<semaphore_mem>>)
        %dma_wait3A_35 = tpu.memref_slice %arg4[%add3A_28] : memref<327680xi32, #tpu.memory_space<hbm>> -> memref<80xi32, #tpu.memory_space<hbm>>
        %dma_wait3A_36 = tpu.memref_slice %arg4[%add3A_28] : memref<327680xi32, #tpu.memory_space<hbm>> -> memref<80xi32, #tpu.memory_space<hbm>>
        tpu.wait_dma2 semaphore(%run_scoped3A : memref<!tpu.dma_semaphore, #tpu.memory_space<semaphore_mem>>) src(%dma_wait3A_36 : memref<80xi32, #tpu.memory_space<hbm>>) dst(%arg7 : memref<80xi32, #tpu.memory_space<vmem>>)
        tpu.yield
      }) : () -> ()
      %dma_start3A = arith.constant 0 : i32
      %dma_start3A_29 = arith.constant 0 : i32
      %dma_start3A_30 = tpu.memref_slice %arg2[%dma_start3A, %dma_start3A_29] : memref<10008x128xf32, #tpu.memory_space<hbm>> -> memref<10008x128xf32, #tpu.memory_space<hbm>>
      tpu.enqueue_indirect_dma source(%dma_start3A_30 : memref<10008x128xf32, #tpu.memory_space<hbm>>) target(%arg8 : memref<80x128xf32, #tpu.memory_space<vmem>>) offsets(%arg6 : memref<80xi32, #tpu.memory_space<vmem>>) semaphore(%arg10 : memref<!tpu.dma_semaphore, #tpu.memory_space<semaphore_mem>>)
      %dma_wait3A = arith.constant 0 : i32
      %dma_wait3A_31 = arith.constant 0 : i32
      %dma_wait3A_32 = tpu.memref_slice %arg2[%dma_wait3A, %dma_wait3A_31] : memref<10008x128xf32, #tpu.memory_space<hbm>> -> memref<10008x128xf32, #tpu.memory_space<hbm>>
      tpu.wait_indirect_dma semaphore(%arg10 : memref<!tpu.dma_semaphore, #tpu.memory_space<semaphore_mem>>) src(%dma_wait3A_32 : memref<10008x128xf32, #tpu.memory_space<hbm>>) dst(%arg8 : memref<80x128xf32, #tpu.memory_space<vmem>>)
      "tpu.region"() ({
        %run_scoped3A = tpu.sem_alloc : memref<!tpu.dma_semaphore, #tpu.memory_space<semaphore_mem>>
        %dma_start3A_33 = arith.constant 0 : i32
        %dma_start3A_34 = arith.constant 0 : i32
        %dma_start3A_35 = tpu.memref_slice %arg9[%dma_start3A_33, %dma_start3A_34] : memref<10008x128xf32, #tpu.memory_space<vmem_shared>> -> memref<10008x128xf32, #tpu.memory_space<vmem_shared>>
        tpu.enqueue_indirect_dma source(%arg8 : memref<80x128xf32, #tpu.memory_space<vmem>>) target(%dma_start3A_35 : memref<10008x128xf32, #tpu.memory_space<vmem_shared>>) offsets(%arg7 : memref<80xi32, #tpu.memory_space<vmem>>) semaphore(%run_scoped3A : memref<!tpu.dma_semaphore, #tpu.memory_space<semaphore_mem>>) {add = true}
        %dma_wait3A_36 = arith.constant 0 : i32
        %dma_wait3A_37 = arith.constant 0 : i32
        %dma_wait3A_38 = tpu.memref_slice %arg9[%dma_wait3A_36, %dma_wait3A_37] : memref<10008x128xf32, #tpu.memory_space<vmem_shared>> -> memref<10008x128xf32, #tpu.memory_space<vmem_shared>>
        tpu.wait_indirect_dma semaphore(%run_scoped3A : memref<!tpu.dma_semaphore, #tpu.memory_space<semaphore_mem>>) src(%arg8 : memref<80x128xf32, #tpu.memory_space<vmem>>) dst(%dma_wait3A_38 : memref<10008x128xf32, #tpu.memory_space<vmem_shared>>)
        tpu.yield
      }) : () -> ()
    }
    %scan3A_13 = arith.constant 125 : i32
    %barrier3A_14 = arith.constant 0 : index
    tpu.barrier barrier_id(%barrier3A_14)
    %lt3A_15 = arith.constant 15 : i32
    %lt3A_16 = arith.cmpi slt, %arg1, %lt3A_15 : i32
    %convert_element_type3A_17 = arith.extui %lt3A_16 : i1 to i32
    %cond3A_18 = arith.constant 0 : i32
    %cond3A_19 = arith.cmpi ne, %convert_element_type3A_17, %cond3A_18 : i32
    scf.if %cond3A_19 {
      %mul3A_25 = arith.constant 624 : i32
      %mul3A_26 = arith.muli %arg1, %mul3A_25 : i32
      "tpu.region"() ({
        %run_scoped3A = tpu.sem_alloc : memref<!tpu.dma_semaphore, #tpu.memory_space<semaphore_mem>>
        %dma_start3A = arith.constant 0 : i32
        %dma_start3A_27 = tpu.memref_slice %arg5[%arg0, %mul3A_26, %dma_start3A] : memref<2x10000x128xf32, #tpu.memory_space<hbm>> -> memref<1x624x128xf32, #tpu.memory_space<hbm>>
        %dma_start3A_28 = tpu.memref_squeeze %dma_start3A_27 : memref<1x624x128xf32, #tpu.memory_space<hbm>> -> memref<624x128xf32, #tpu.memory_space<hbm>>
        %dma_start3A_29 = arith.constant 0 : i32
        %dma_start3A_30 = tpu.memref_slice %arg9[%mul3A_26, %dma_start3A_29] : memref<10008x128xf32, #tpu.memory_space<vmem_shared>> -> memref<624x128xf32, #tpu.memory_space<vmem_shared>>
        tpu.enqueue_dma source(%dma_start3A_30 : memref<624x128xf32, #tpu.memory_space<vmem_shared>>) target(%dma_start3A_28 : memref<624x128xf32, #tpu.memory_space<hbm>>) target_semaphore(%run_scoped3A : memref<!tpu.dma_semaphore, #tpu.memory_space<semaphore_mem>>)
        %dma_wait3A = arith.constant 0 : i32
        %dma_wait3A_31 = tpu.memref_slice %arg5[%arg0, %mul3A_26, %dma_wait3A] : memref<2x10000x128xf32, #tpu.memory_space<hbm>> -> memref<1x624x128xf32, #tpu.memory_space<hbm>>
        %dma_wait3A_32 = tpu.memref_squeeze %dma_wait3A_31 : memref<1x624x128xf32, #tpu.memory_space<hbm>> -> memref<624x128xf32, #tpu.memory_space<hbm>>
        %dma_wait3A_33 = arith.constant 0 : i32
        %dma_wait3A_34 = tpu.memref_slice %arg9[%mul3A_26, %dma_wait3A_33] : memref<10008x128xf32, #tpu.memory_space<vmem_shared>> -> memref<624x128xf32, #tpu.memory_space<vmem_shared>>
        tpu.wait_dma2 semaphore(%run_scoped3A : memref<!tpu.dma_semaphore, #tpu.memory_space<semaphore_mem>>) src(%dma_wait3A_34 : memref<624x128xf32, #tpu.memory_space<vmem_shared>>) dst(%dma_wait3A_32 : memref<624x128xf32, #tpu.memory_space<hbm>>)
        tpu.yield
      }) : () -> ()
    } else {
    }
    %eq3A_20 = arith.constant 15 : i32
    %eq3A_21 = arith.cmpi eq, %arg1, %eq3A_20 : i32
    %convert_element_type3A_22 = arith.extui %eq3A_21 : i1 to i32
    %cond3A_23 = arith.constant 0 : i32
    %cond3A_24 = arith.cmpi ne, %convert_element_type3A_22, %cond3A_23 : i32
    scf.if %cond3A_24 {
      "tpu.region"() ({
        %run_scoped3A = tpu.sem_alloc : memref<!tpu.dma_semaphore, #tpu.memory_space<semaphore_mem>>
        %dma_start3A = arith.constant 9360 : i32
        %dma_start3A_25 = arith.constant 0 : i32
        %dma_start3A_26 = tpu.memref_slice %arg5[%arg0, %dma_start3A, %dma_start3A_25] : memref<2x10000x128xf32, #tpu.memory_space<hbm>> -> memref<1x640x128xf32, #tpu.memory_space<hbm>>
        %dma_start3A_27 = tpu.memref_squeeze %dma_start3A_26 : memref<1x640x128xf32, #tpu.memory_space<hbm>> -> memref<640x128xf32, #tpu.memory_space<hbm>>
        %dma_start3A_28 = arith.constant 9360 : i32
        %dma_start3A_29 = arith.constant 0 : i32
        %dma_start3A_30 = tpu.memref_slice %arg9[%dma_start3A_28, %dma_start3A_29] : memref<10008x128xf32, #tpu.memory_space<vmem_shared>> -> memref<640x128xf32, #tpu.memory_space<vmem_shared>>
        tpu.enqueue_dma source(%dma_start3A_30 : memref<640x128xf32, #tpu.memory_space<vmem_shared>>) target(%dma_start3A_27 : memref<640x128xf32, #tpu.memory_space<hbm>>) target_semaphore(%run_scoped3A : memref<!tpu.dma_semaphore, #tpu.memory_space<semaphore_mem>>)
        %dma_wait3A = arith.constant 9360 : i32
        %dma_wait3A_31 = arith.constant 0 : i32
        %dma_wait3A_32 = tpu.memref_slice %arg5[%arg0, %dma_wait3A, %dma_wait3A_31] : memref<2x10000x128xf32, #tpu.memory_space<hbm>> -> memref<1x640x128xf32, #tpu.memory_space<hbm>>
        %dma_wait3A_33 = tpu.memref_squeeze %dma_wait3A_32 : memref<1x640x128xf32, #tpu.memory_space<hbm>> -> memref<640x128xf32, #tpu.memory_space<hbm>>
        %dma_wait3A_34 = arith.constant 9360 : i32
        %dma_wait3A_35 = arith.constant 0 : i32
        %dma_wait3A_36 = tpu.memref_slice %arg9[%dma_wait3A_34, %dma_wait3A_35] : memref<10008x128xf32, #tpu.memory_space<vmem_shared>> -> memref<640x128xf32, #tpu.memory_space<vmem_shared>>
        tpu.wait_dma2 semaphore(%run_scoped3A : memref<!tpu.dma_semaphore, #tpu.memory_space<semaphore_mem>>) src(%dma_wait3A_36 : memref<640x128xf32, #tpu.memory_space<vmem_shared>>) dst(%dma_wait3A_33 : memref<640x128xf32, #tpu.memory_space<hbm>>)
        tpu.yield
      }) : () -> ()
    } else {
    }
    return
  }
}

#map = affine_map<(d0, d1) -> (0, 0, 0)>
#map1 = affine_map<(d0, d1) -> (0, 0)>
module attributes {stable_mosaic.version = 14 : i64} {
  func.func @_deg_body(%arg0: i32, %arg1: i32, %arg2: memref<32x80x128xi32, #tpu.memory_space<hbm>>, %arg3: memref<10000x16xf32, #tpu.memory_space<hbm>>, %arg4: memref<128x16xf32, #tpu.memory_space<hbm>>, %arg5: memref<2x10000x16xf32, #tpu.memory_space<hbm>>, %arg6: memref<8x128xi32, #tpu.memory_space<vmem>>, %arg7: memref<128x16xf32, #tpu.memory_space<vmem>>, %arg8: memref<10008x16xf32, #tpu.memory_space<vmem_shared>>, %arg9: memref<!tpu.dma_semaphore, #tpu.memory_space<semaphore_mem>>) attributes {dimension_semantics = [#tpu.dimension_semantics<core_parallel>, #tpu.dimension_semantics<subcore_parallel>], iteration_bounds = array<i64: 2, 16>, scalar_prefetch = 0 : i64, scratch_operands = 4 : i64, tpu.core_type = #tpu.core_type<sc_vector_subcore>, window_params = [{transform_indices = #map}, {transform_indices = #map1}, {transform_indices = #map1}, {transform_indices = #map}]} {
    %mul3A = arith.constant 16 : i32
    %mul3A_0 = arith.muli %arg0, %mul3A : i32
    %add3A = arith.addi %mul3A_0, %arg1 : i32
    %lt3A = arith.constant 15 : i32
    %lt3A_1 = arith.cmpi slt, %arg1, %lt3A : i32
    %convert_element_type3A = arith.extui %lt3A_1 : i1 to i32
    %cond3A = arith.constant 0 : i32
    %cond3A_2 = arith.cmpi ne, %convert_element_type3A, %cond3A : i32
    scf.if %cond3A_2 {
      %mul3A_23 = arith.constant 624 : i32
      %mul3A_24 = arith.muli %arg1, %mul3A_23 : i32
      "tpu.region"() ({
        %run_scoped3A = tpu.sem_alloc : memref<!tpu.dma_semaphore, #tpu.memory_space<semaphore_mem>>
        %dma_start3A = arith.constant 0 : i32
        %dma_start3A_25 = tpu.memref_slice %arg8[%mul3A_24, %dma_start3A] : memref<10008x16xf32, #tpu.memory_space<vmem_shared>> -> memref<624x16xf32, #tpu.memory_space<vmem_shared>>
        %dma_start3A_26 = arith.constant 0 : i32
        %dma_start3A_27 = tpu.memref_slice %arg3[%mul3A_24, %dma_start3A_26] : memref<10000x16xf32, #tpu.memory_space<hbm>> -> memref<624x16xf32, #tpu.memory_space<hbm>>
        tpu.enqueue_dma source(%dma_start3A_27 : memref<624x16xf32, #tpu.memory_space<hbm>>) target(%dma_start3A_25 : memref<624x16xf32, #tpu.memory_space<vmem_shared>>) target_semaphore(%run_scoped3A : memref<!tpu.dma_semaphore, #tpu.memory_space<semaphore_mem>>)
        %dma_wait3A = arith.constant 0 : i32
        %dma_wait3A_28 = tpu.memref_slice %arg8[%mul3A_24, %dma_wait3A] : memref<10008x16xf32, #tpu.memory_space<vmem_shared>> -> memref<624x16xf32, #tpu.memory_space<vmem_shared>>
        %dma_wait3A_29 = arith.constant 0 : i32
        %dma_wait3A_30 = tpu.memref_slice %arg3[%mul3A_24, %dma_wait3A_29] : memref<10000x16xf32, #tpu.memory_space<hbm>> -> memref<624x16xf32, #tpu.memory_space<hbm>>
        tpu.wait_dma2 semaphore(%run_scoped3A : memref<!tpu.dma_semaphore, #tpu.memory_space<semaphore_mem>>) src(%dma_wait3A_30 : memref<624x16xf32, #tpu.memory_space<hbm>>) dst(%dma_wait3A_28 : memref<624x16xf32, #tpu.memory_space<vmem_shared>>)
        tpu.yield
      }) : () -> ()
    } else {
    }
    %eq3A = arith.constant 15 : i32
    %eq3A_3 = arith.cmpi eq, %arg1, %eq3A : i32
    %convert_element_type3A_4 = arith.extui %eq3A_3 : i1 to i32
    %cond3A_5 = arith.constant 0 : i32
    %cond3A_6 = arith.cmpi ne, %convert_element_type3A_4, %cond3A_5 : i32
    scf.if %cond3A_6 {
      "tpu.region"() ({
        %run_scoped3A = tpu.sem_alloc : memref<!tpu.dma_semaphore, #tpu.memory_space<semaphore_mem>>
        %dma_start3A = arith.constant 9360 : i32
        %dma_start3A_23 = arith.constant 0 : i32
        %dma_start3A_24 = tpu.memref_slice %arg8[%dma_start3A, %dma_start3A_23] : memref<10008x16xf32, #tpu.memory_space<vmem_shared>> -> memref<640x16xf32, #tpu.memory_space<vmem_shared>>
        %dma_start3A_25 = arith.constant 9360 : i32
        %dma_start3A_26 = arith.constant 0 : i32
        %dma_start3A_27 = tpu.memref_slice %arg3[%dma_start3A_25, %dma_start3A_26] : memref<10000x16xf32, #tpu.memory_space<hbm>> -> memref<640x16xf32, #tpu.memory_space<hbm>>
        tpu.enqueue_dma source(%dma_start3A_27 : memref<640x16xf32, #tpu.memory_space<hbm>>) target(%dma_start3A_24 : memref<640x16xf32, #tpu.memory_space<vmem_shared>>) target_semaphore(%run_scoped3A : memref<!tpu.dma_semaphore, #tpu.memory_space<semaphore_mem>>)
        %dma_wait3A = arith.constant 9360 : i32
        %dma_wait3A_28 = arith.constant 0 : i32
        %dma_wait3A_29 = tpu.memref_slice %arg8[%dma_wait3A, %dma_wait3A_28] : memref<10008x16xf32, #tpu.memory_space<vmem_shared>> -> memref<640x16xf32, #tpu.memory_space<vmem_shared>>
        %dma_wait3A_30 = arith.constant 9360 : i32
        %dma_wait3A_31 = arith.constant 0 : i32
        %dma_wait3A_32 = tpu.memref_slice %arg3[%dma_wait3A_30, %dma_wait3A_31] : memref<10000x16xf32, #tpu.memory_space<hbm>> -> memref<640x16xf32, #tpu.memory_space<hbm>>
        tpu.wait_dma2 semaphore(%run_scoped3A : memref<!tpu.dma_semaphore, #tpu.memory_space<semaphore_mem>>) src(%dma_wait3A_32 : memref<640x16xf32, #tpu.memory_space<hbm>>) dst(%dma_wait3A_29 : memref<640x16xf32, #tpu.memory_space<vmem_shared>>)
        tpu.yield
      }) : () -> ()
    } else {
    }
    "tpu.region"() ({
      %run_scoped3A = tpu.sem_alloc : memref<!tpu.dma_semaphore, #tpu.memory_space<semaphore_mem>>
      tpu.enqueue_dma source(%arg4 : memref<128x16xf32, #tpu.memory_space<hbm>>) target(%arg7 : memref<128x16xf32, #tpu.memory_space<vmem>>) target_semaphore(%run_scoped3A : memref<!tpu.dma_semaphore, #tpu.memory_space<semaphore_mem>>)
      tpu.wait_dma2 semaphore(%run_scoped3A : memref<!tpu.dma_semaphore, #tpu.memory_space<semaphore_mem>>) src(%arg4 : memref<128x16xf32, #tpu.memory_space<hbm>>) dst(%arg7 : memref<128x16xf32, #tpu.memory_space<vmem>>)
      tpu.yield
    }) : () -> ()
    %barrier3A = arith.constant 0 : index
    tpu.barrier barrier_id(%barrier3A)
    %scan3A = arith.constant 0 : i32
    %scan3A_7 = arith.constant 0 : i32
    %scan3A_8 = arith.constant 10 : i32
    %scan3A_9 = arith.addi %scan3A_7, %scan3A_8 : i32
    %scan3A_10 = arith.constant 1 : i32
    scf.for %scan3A_23 = %scan3A_7 to %scan3A_9 step %scan3A_10  : i32 {
      %mul3A_24 = arith.constant 8 : i32
      %mul3A_25 = arith.muli %scan3A_23, %mul3A_24 : i32
      "tpu.region"() ({
        %run_scoped3A_33 = tpu.sem_alloc : memref<!tpu.dma_semaphore, #tpu.memory_space<semaphore_mem>>
        %dma_start3A = arith.constant 0 : i32
        %dma_start3A_34 = tpu.memref_slice %arg2[%add3A, %mul3A_25, %dma_start3A] : memref<32x80x128xi32, #tpu.memory_space<hbm>> -> memref<1x8x128xi32, #tpu.memory_space<hbm>>
        %dma_start3A_35 = tpu.memref_squeeze %dma_start3A_34 : memref<1x8x128xi32, #tpu.memory_space<hbm>> -> memref<8x128xi32, #tpu.memory_space<hbm>>
        %dma_start3A_36 = arith.constant 0 : i32
        %dma_start3A_37 = tpu.memref_slice %arg2[%add3A, %mul3A_25, %dma_start3A_36] : memref<32x80x128xi32, #tpu.memory_space<hbm>> -> memref<1x8x128xi32, #tpu.memory_space<hbm>>
        %dma_start3A_38 = tpu.memref_squeeze %dma_start3A_37 : memref<1x8x128xi32, #tpu.memory_space<hbm>> -> memref<8x128xi32, #tpu.memory_space<hbm>>
        tpu.enqueue_dma source(%dma_start3A_38 : memref<8x128xi32, #tpu.memory_space<hbm>>) target(%arg6 : memref<8x128xi32, #tpu.memory_space<vmem>>) target_semaphore(%run_scoped3A_33 : memref<!tpu.dma_semaphore, #tpu.memory_space<semaphore_mem>>)
        %dma_wait3A = arith.constant 0 : i32
        %dma_wait3A_39 = tpu.memref_slice %arg2[%add3A, %mul3A_25, %dma_wait3A] : memref<32x80x128xi32, #tpu.memory_space<hbm>> -> memref<1x8x128xi32, #tpu.memory_space<hbm>>
        %dma_wait3A_40 = tpu.memref_squeeze %dma_wait3A_39 : memref<1x8x128xi32, #tpu.memory_space<hbm>> -> memref<8x128xi32, #tpu.memory_space<hbm>>
        %dma_wait3A_41 = arith.constant 0 : i32
        %dma_wait3A_42 = tpu.memref_slice %arg2[%add3A, %mul3A_25, %dma_wait3A_41] : memref<32x80x128xi32, #tpu.memory_space<hbm>> -> memref<1x8x128xi32, #tpu.memory_space<hbm>>
        %dma_wait3A_43 = tpu.memref_squeeze %dma_wait3A_42 : memref<1x8x128xi32, #tpu.memory_space<hbm>> -> memref<8x128xi32, #tpu.memory_space<hbm>>
        tpu.wait_dma2 semaphore(%run_scoped3A_33 : memref<!tpu.dma_semaphore, #tpu.memory_space<semaphore_mem>>) src(%dma_wait3A_43 : memref<8x128xi32, #tpu.memory_space<hbm>>) dst(%arg6 : memref<8x128xi32, #tpu.memory_space<vmem>>)
        tpu.yield
      }) : () -> ()
      %run_scoped3A = arith.constant 0 : i32
      "tpu.region"() ({
        %run_scoped3A_33 = tpu.sem_alloc : memref<!tpu.dma_semaphore, #tpu.memory_space<semaphore_mem>>
        %dma_start3A = arith.constant 0 : i32
        %dma_start3A_34 = tpu.memref_slice %arg6[%run_scoped3A, %dma_start3A] : memref<8x128xi32, #tpu.memory_space<vmem>> -> memref<1x128xi32, #tpu.memory_space<vmem>>
        %dma_start3A_35 = tpu.memref_squeeze %dma_start3A_34 : memref<1x128xi32, #tpu.memory_space<vmem>> -> memref<128xi32, #tpu.memory_space<vmem>>
        %dma_start3A_36 = arith.constant 0 : i32
        %dma_start3A_37 = arith.constant 0 : i32
        %dma_start3A_38 = tpu.memref_slice %arg8[%dma_start3A_36, %dma_start3A_37] : memref<10008x16xf32, #tpu.memory_space<vmem_shared>> -> memref<10008x16xf32, #tpu.memory_space<vmem_shared>>
        tpu.enqueue_indirect_dma source(%arg7 : memref<128x16xf32, #tpu.memory_space<vmem>>) target(%dma_start3A_38 : memref<10008x16xf32, #tpu.memory_space<vmem_shared>>) offsets(%dma_start3A_35 : memref<128xi32, #tpu.memory_space<vmem>>) semaphore(%run_scoped3A_33 : memref<!tpu.dma_semaphore, #tpu.memory_space<semaphore_mem>>) {add = true}
        %dma_wait3A = arith.constant 0 : i32
        %dma_wait3A_39 = tpu.memref_slice %arg6[%run_scoped3A, %dma_wait3A] : memref<8x128xi32, #tpu.memory_space<vmem>> -> memref<1x128xi32, #tpu.memory_space<vmem>>
        %dma_wait3A_40 = tpu.memref_squeeze %dma_wait3A_39 : memref<1x128xi32, #tpu.memory_space<vmem>> -> memref<128xi32, #tpu.memory_space<vmem>>
        %dma_wait3A_41 = arith.constant 0 : i32
        %dma_wait3A_42 = arith.constant 0 : i32
        %dma_wait3A_43 = tpu.memref_slice %arg8[%dma_wait3A_41, %dma_wait3A_42] : memref<10008x16xf32, #tpu.memory_space<vmem_shared>> -> memref<10008x16xf32, #tpu.memory_space<vmem_shared>>
        tpu.wait_indirect_dma semaphore(%run_scoped3A_33 : memref<!tpu.dma_semaphore, #tpu.memory_space<semaphore_mem>>) src(%arg7 : memref<128x16xf32, #tpu.memory_space<vmem>>) dst(%dma_wait3A_43 : memref<10008x16xf32, #tpu.memory_space<vmem_shared>>)
        tpu.yield
      }) : () -> ()
      %run_scoped3A_26 = arith.constant 1 : i32
      "tpu.region"() ({
        %run_scoped3A_33 = tpu.sem_alloc : memref<!tpu.dma_semaphore, #tpu.memory_space<semaphore_mem>>
        %dma_start3A = arith.constant 0 : i32
        %dma_start3A_34 = tpu.memref_slice %arg6[%run_scoped3A_26, %dma_start3A] : memref<8x128xi32, #tpu.memory_space<vmem>> -> memref<1x128xi32, #tpu.memory_space<vmem>>
        %dma_start3A_35 = tpu.memref_squeeze %dma_start3A_34 : memref<1x128xi32, #tpu.memory_space<vmem>> -> memref<128xi32, #tpu.memory_space<vmem>>
        %dma_start3A_36 = arith.constant 0 : i32
        %dma_start3A_37 = arith.constant 0 : i32
        %dma_start3A_38 = tpu.memref_slice %arg8[%dma_start3A_36, %dma_start3A_37] : memref<10008x16xf32, #tpu.memory_space<vmem_shared>> -> memref<10008x16xf32, #tpu.memory_space<vmem_shared>>
        tpu.enqueue_indirect_dma source(%arg7 : memref<128x16xf32, #tpu.memory_space<vmem>>) target(%dma_start3A_38 : memref<10008x16xf32, #tpu.memory_space<vmem_shared>>) offsets(%dma_start3A_35 : memref<128xi32, #tpu.memory_space<vmem>>) semaphore(%run_scoped3A_33 : memref<!tpu.dma_semaphore, #tpu.memory_space<semaphore_mem>>) {add = true}
        %dma_wait3A = arith.constant 0 : i32
        %dma_wait3A_39 = tpu.memref_slice %arg6[%run_scoped3A_26, %dma_wait3A] : memref<8x128xi32, #tpu.memory_space<vmem>> -> memref<1x128xi32, #tpu.memory_space<vmem>>
        %dma_wait3A_40 = tpu.memref_squeeze %dma_wait3A_39 : memref<1x128xi32, #tpu.memory_space<vmem>> -> memref<128xi32, #tpu.memory_space<vmem>>
        %dma_wait3A_41 = arith.constant 0 : i32
        %dma_wait3A_42 = arith.constant 0 : i32
        %dma_wait3A_43 = tpu.memref_slice %arg8[%dma_wait3A_41, %dma_wait3A_42] : memref<10008x16xf32, #tpu.memory_space<vmem_shared>> -> memref<10008x16xf32, #tpu.memory_space<vmem_shared>>
        tpu.wait_indirect_dma semaphore(%run_scoped3A_33 : memref<!tpu.dma_semaphore, #tpu.memory_space<semaphore_mem>>) src(%arg7 : memref<128x16xf32, #tpu.memory_space<vmem>>) dst(%dma_wait3A_43 : memref<10008x16xf32, #tpu.memory_space<vmem_shared>>)
        tpu.yield
      }) : () -> ()
      %run_scoped3A_27 = arith.constant 2 : i32
      "tpu.region"() ({
        %run_scoped3A_33 = tpu.sem_alloc : memref<!tpu.dma_semaphore, #tpu.memory_space<semaphore_mem>>
        %dma_start3A = arith.constant 0 : i32
        %dma_start3A_34 = tpu.memref_slice %arg6[%run_scoped3A_27, %dma_start3A] : memref<8x128xi32, #tpu.memory_space<vmem>> -> memref<1x128xi32, #tpu.memory_space<vmem>>
        %dma_start3A_35 = tpu.memref_squeeze %dma_start3A_34 : memref<1x128xi32, #tpu.memory_space<vmem>> -> memref<128xi32, #tpu.memory_space<vmem>>
        %dma_start3A_36 = arith.constant 0 : i32
        %dma_start3A_37 = arith.constant 0 : i32
        %dma_start3A_38 = tpu.memref_slice %arg8[%dma_start3A_36, %dma_start3A_37] : memref<10008x16xf32, #tpu.memory_space<vmem_shared>> -> memref<10008x16xf32, #tpu.memory_space<vmem_shared>>
        tpu.enqueue_indirect_dma source(%arg7 : memref<128x16xf32, #tpu.memory_space<vmem>>) target(%dma_start3A_38 : memref<10008x16xf32, #tpu.memory_space<vmem_shared>>) offsets(%dma_start3A_35 : memref<128xi32, #tpu.memory_space<vmem>>) semaphore(%run_scoped3A_33 : memref<!tpu.dma_semaphore, #tpu.memory_space<semaphore_mem>>) {add = true}
        %dma_wait3A = arith.constant 0 : i32
        %dma_wait3A_39 = tpu.memref_slice %arg6[%run_scoped3A_27, %dma_wait3A] : memref<8x128xi32, #tpu.memory_space<vmem>> -> memref<1x128xi32, #tpu.memory_space<vmem>>
        %dma_wait3A_40 = tpu.memref_squeeze %dma_wait3A_39 : memref<1x128xi32, #tpu.memory_space<vmem>> -> memref<128xi32, #tpu.memory_space<vmem>>
        %dma_wait3A_41 = arith.constant 0 : i32
        %dma_wait3A_42 = arith.constant 0 : i32
        %dma_wait3A_43 = tpu.memref_slice %arg8[%dma_wait3A_41, %dma_wait3A_42] : memref<10008x16xf32, #tpu.memory_space<vmem_shared>> -> memref<10008x16xf32, #tpu.memory_space<vmem_shared>>
        tpu.wait_indirect_dma semaphore(%run_scoped3A_33 : memref<!tpu.dma_semaphore, #tpu.memory_space<semaphore_mem>>) src(%arg7 : memref<128x16xf32, #tpu.memory_space<vmem>>) dst(%dma_wait3A_43 : memref<10008x16xf32, #tpu.memory_space<vmem_shared>>)
        tpu.yield
      }) : () -> ()
      %run_scoped3A_28 = arith.constant 3 : i32
      "tpu.region"() ({
        %run_scoped3A_33 = tpu.sem_alloc : memref<!tpu.dma_semaphore, #tpu.memory_space<semaphore_mem>>
        %dma_start3A = arith.constant 0 : i32
        %dma_start3A_34 = tpu.memref_slice %arg6[%run_scoped3A_28, %dma_start3A] : memref<8x128xi32, #tpu.memory_space<vmem>> -> memref<1x128xi32, #tpu.memory_space<vmem>>
        %dma_start3A_35 = tpu.memref_squeeze %dma_start3A_34 : memref<1x128xi32, #tpu.memory_space<vmem>> -> memref<128xi32, #tpu.memory_space<vmem>>
        %dma_start3A_36 = arith.constant 0 : i32
        %dma_start3A_37 = arith.constant 0 : i32
        %dma_start3A_38 = tpu.memref_slice %arg8[%dma_start3A_36, %dma_start3A_37] : memref<10008x16xf32, #tpu.memory_space<vmem_shared>> -> memref<10008x16xf32, #tpu.memory_space<vmem_shared>>
        tpu.enqueue_indirect_dma source(%arg7 : memref<128x16xf32, #tpu.memory_space<vmem>>) target(%dma_start3A_38 : memref<10008x16xf32, #tpu.memory_space<vmem_shared>>) offsets(%dma_start3A_35 : memref<128xi32, #tpu.memory_space<vmem>>) semaphore(%run_scoped3A_33 : memref<!tpu.dma_semaphore, #tpu.memory_space<semaphore_mem>>) {add = true}
        %dma_wait3A = arith.constant 0 : i32
        %dma_wait3A_39 = tpu.memref_slice %arg6[%run_scoped3A_28, %dma_wait3A] : memref<8x128xi32, #tpu.memory_space<vmem>> -> memref<1x128xi32, #tpu.memory_space<vmem>>
        %dma_wait3A_40 = tpu.memref_squeeze %dma_wait3A_39 : memref<1x128xi32, #tpu.memory_space<vmem>> -> memref<128xi32, #tpu.memory_space<vmem>>
        %dma_wait3A_41 = arith.constant 0 : i32
        %dma_wait3A_42 = arith.constant 0 : i32
        %dma_wait3A_43 = tpu.memref_slice %arg8[%dma_wait3A_41, %dma_wait3A_42] : memref<10008x16xf32, #tpu.memory_space<vmem_shared>> -> memref<10008x16xf32, #tpu.memory_space<vmem_shared>>
        tpu.wait_indirect_dma semaphore(%run_scoped3A_33 : memref<!tpu.dma_semaphore, #tpu.memory_space<semaphore_mem>>) src(%arg7 : memref<128x16xf32, #tpu.memory_space<vmem>>) dst(%dma_wait3A_43 : memref<10008x16xf32, #tpu.memory_space<vmem_shared>>)
        tpu.yield
      }) : () -> ()
      %run_scoped3A_29 = arith.constant 4 : i32
      "tpu.region"() ({
        %run_scoped3A_33 = tpu.sem_alloc : memref<!tpu.dma_semaphore, #tpu.memory_space<semaphore_mem>>
        %dma_start3A = arith.constant 0 : i32
        %dma_start3A_34 = tpu.memref_slice %arg6[%run_scoped3A_29, %dma_start3A] : memref<8x128xi32, #tpu.memory_space<vmem>> -> memref<1x128xi32, #tpu.memory_space<vmem>>
        %dma_start3A_35 = tpu.memref_squeeze %dma_start3A_34 : memref<1x128xi32, #tpu.memory_space<vmem>> -> memref<128xi32, #tpu.memory_space<vmem>>
        %dma_start3A_36 = arith.constant 0 : i32
        %dma_start3A_37 = arith.constant 0 : i32
        %dma_start3A_38 = tpu.memref_slice %arg8[%dma_start3A_36, %dma_start3A_37] : memref<10008x16xf32, #tpu.memory_space<vmem_shared>> -> memref<10008x16xf32, #tpu.memory_space<vmem_shared>>
        tpu.enqueue_indirect_dma source(%arg7 : memref<128x16xf32, #tpu.memory_space<vmem>>) target(%dma_start3A_38 : memref<10008x16xf32, #tpu.memory_space<vmem_shared>>) offsets(%dma_start3A_35 : memref<128xi32, #tpu.memory_space<vmem>>) semaphore(%run_scoped3A_33 : memref<!tpu.dma_semaphore, #tpu.memory_space<semaphore_mem>>) {add = true}
        %dma_wait3A = arith.constant 0 : i32
        %dma_wait3A_39 = tpu.memref_slice %arg6[%run_scoped3A_29, %dma_wait3A] : memref<8x128xi32, #tpu.memory_space<vmem>> -> memref<1x128xi32, #tpu.memory_space<vmem>>
        %dma_wait3A_40 = tpu.memref_squeeze %dma_wait3A_39 : memref<1x128xi32, #tpu.memory_space<vmem>> -> memref<128xi32, #tpu.memory_space<vmem>>
        %dma_wait3A_41 = arith.constant 0 : i32
        %dma_wait3A_42 = arith.constant 0 : i32
        %dma_wait3A_43 = tpu.memref_slice %arg8[%dma_wait3A_41, %dma_wait3A_42] : memref<10008x16xf32, #tpu.memory_space<vmem_shared>> -> memref<10008x16xf32, #tpu.memory_space<vmem_shared>>
        tpu.wait_indirect_dma semaphore(%run_scoped3A_33 : memref<!tpu.dma_semaphore, #tpu.memory_space<semaphore_mem>>) src(%arg7 : memref<128x16xf32, #tpu.memory_space<vmem>>) dst(%dma_wait3A_43 : memref<10008x16xf32, #tpu.memory_space<vmem_shared>>)
        tpu.yield
      }) : () -> ()
      %run_scoped3A_30 = arith.constant 5 : i32
      "tpu.region"() ({
        %run_scoped3A_33 = tpu.sem_alloc : memref<!tpu.dma_semaphore, #tpu.memory_space<semaphore_mem>>
        %dma_start3A = arith.constant 0 : i32
        %dma_start3A_34 = tpu.memref_slice %arg6[%run_scoped3A_30, %dma_start3A] : memref<8x128xi32, #tpu.memory_space<vmem>> -> memref<1x128xi32, #tpu.memory_space<vmem>>
        %dma_start3A_35 = tpu.memref_squeeze %dma_start3A_34 : memref<1x128xi32, #tpu.memory_space<vmem>> -> memref<128xi32, #tpu.memory_space<vmem>>
        %dma_start3A_36 = arith.constant 0 : i32
        %dma_start3A_37 = arith.constant 0 : i32
        %dma_start3A_38 = tpu.memref_slice %arg8[%dma_start3A_36, %dma_start3A_37] : memref<10008x16xf32, #tpu.memory_space<vmem_shared>> -> memref<10008x16xf32, #tpu.memory_space<vmem_shared>>
        tpu.enqueue_indirect_dma source(%arg7 : memref<128x16xf32, #tpu.memory_space<vmem>>) target(%dma_start3A_38 : memref<10008x16xf32, #tpu.memory_space<vmem_shared>>) offsets(%dma_start3A_35 : memref<128xi32, #tpu.memory_space<vmem>>) semaphore(%run_scoped3A_33 : memref<!tpu.dma_semaphore, #tpu.memory_space<semaphore_mem>>) {add = true}
        %dma_wait3A = arith.constant 0 : i32
        %dma_wait3A_39 = tpu.memref_slice %arg6[%run_scoped3A_30, %dma_wait3A] : memref<8x128xi32, #tpu.memory_space<vmem>> -> memref<1x128xi32, #tpu.memory_space<vmem>>
        %dma_wait3A_40 = tpu.memref_squeeze %dma_wait3A_39 : memref<1x128xi32, #tpu.memory_space<vmem>> -> memref<128xi32, #tpu.memory_space<vmem>>
        %dma_wait3A_41 = arith.constant 0 : i32
        %dma_wait3A_42 = arith.constant 0 : i32
        %dma_wait3A_43 = tpu.memref_slice %arg8[%dma_wait3A_41, %dma_wait3A_42] : memref<10008x16xf32, #tpu.memory_space<vmem_shared>> -> memref<10008x16xf32, #tpu.memory_space<vmem_shared>>
        tpu.wait_indirect_dma semaphore(%run_scoped3A_33 : memref<!tpu.dma_semaphore, #tpu.memory_space<semaphore_mem>>) src(%arg7 : memref<128x16xf32, #tpu.memory_space<vmem>>) dst(%dma_wait3A_43 : memref<10008x16xf32, #tpu.memory_space<vmem_shared>>)
        tpu.yield
      }) : () -> ()
      %run_scoped3A_31 = arith.constant 6 : i32
      "tpu.region"() ({
        %run_scoped3A_33 = tpu.sem_alloc : memref<!tpu.dma_semaphore, #tpu.memory_space<semaphore_mem>>
        %dma_start3A = arith.constant 0 : i32
        %dma_start3A_34 = tpu.memref_slice %arg6[%run_scoped3A_31, %dma_start3A] : memref<8x128xi32, #tpu.memory_space<vmem>> -> memref<1x128xi32, #tpu.memory_space<vmem>>
        %dma_start3A_35 = tpu.memref_squeeze %dma_start3A_34 : memref<1x128xi32, #tpu.memory_space<vmem>> -> memref<128xi32, #tpu.memory_space<vmem>>
        %dma_start3A_36 = arith.constant 0 : i32
        %dma_start3A_37 = arith.constant 0 : i32
        %dma_start3A_38 = tpu.memref_slice %arg8[%dma_start3A_36, %dma_start3A_37] : memref<10008x16xf32, #tpu.memory_space<vmem_shared>> -> memref<10008x16xf32, #tpu.memory_space<vmem_shared>>
        tpu.enqueue_indirect_dma source(%arg7 : memref<128x16xf32, #tpu.memory_space<vmem>>) target(%dma_start3A_38 : memref<10008x16xf32, #tpu.memory_space<vmem_shared>>) offsets(%dma_start3A_35 : memref<128xi32, #tpu.memory_space<vmem>>) semaphore(%run_scoped3A_33 : memref<!tpu.dma_semaphore, #tpu.memory_space<semaphore_mem>>) {add = true}
        %dma_wait3A = arith.constant 0 : i32
        %dma_wait3A_39 = tpu.memref_slice %arg6[%run_scoped3A_31, %dma_wait3A] : memref<8x128xi32, #tpu.memory_space<vmem>> -> memref<1x128xi32, #tpu.memory_space<vmem>>
        %dma_wait3A_40 = tpu.memref_squeeze %dma_wait3A_39 : memref<1x128xi32, #tpu.memory_space<vmem>> -> memref<128xi32, #tpu.memory_space<vmem>>
        %dma_wait3A_41 = arith.constant 0 : i32
        %dma_wait3A_42 = arith.constant 0 : i32
        %dma_wait3A_43 = tpu.memref_slice %arg8[%dma_wait3A_41, %dma_wait3A_42] : memref<10008x16xf32, #tpu.memory_space<vmem_shared>> -> memref<10008x16xf32, #tpu.memory_space<vmem_shared>>
        tpu.wait_indirect_dma semaphore(%run_scoped3A_33 : memref<!tpu.dma_semaphore, #tpu.memory_space<semaphore_mem>>) src(%arg7 : memref<128x16xf32, #tpu.memory_space<vmem>>) dst(%dma_wait3A_43 : memref<10008x16xf32, #tpu.memory_space<vmem_shared>>)
        tpu.yield
      }) : () -> ()
      %run_scoped3A_32 = arith.constant 7 : i32
      "tpu.region"() ({
        %run_scoped3A_33 = tpu.sem_alloc : memref<!tpu.dma_semaphore, #tpu.memory_space<semaphore_mem>>
        %dma_start3A = arith.constant 0 : i32
        %dma_start3A_34 = tpu.memref_slice %arg6[%run_scoped3A_32, %dma_start3A] : memref<8x128xi32, #tpu.memory_space<vmem>> -> memref<1x128xi32, #tpu.memory_space<vmem>>
        %dma_start3A_35 = tpu.memref_squeeze %dma_start3A_34 : memref<1x128xi32, #tpu.memory_space<vmem>> -> memref<128xi32, #tpu.memory_space<vmem>>
        %dma_start3A_36 = arith.constant 0 : i32
        %dma_start3A_37 = arith.constant 0 : i32
        %dma_start3A_38 = tpu.memref_slice %arg8[%dma_start3A_36, %dma_start3A_37] : memref<10008x16xf32, #tpu.memory_space<vmem_shared>> -> memref<10008x16xf32, #tpu.memory_space<vmem_shared>>
        tpu.enqueue_indirect_dma source(%arg7 : memref<128x16xf32, #tpu.memory_space<vmem>>) target(%dma_start3A_38 : memref<10008x16xf32, #tpu.memory_space<vmem_shared>>) offsets(%dma_start3A_35 : memref<128xi32, #tpu.memory_space<vmem>>) semaphore(%run_scoped3A_33 : memref<!tpu.dma_semaphore, #tpu.memory_space<semaphore_mem>>) {add = true}
        %dma_wait3A = arith.constant 0 : i32
        %dma_wait3A_39 = tpu.memref_slice %arg6[%run_scoped3A_32, %dma_wait3A] : memref<8x128xi32, #tpu.memory_space<vmem>> -> memref<1x128xi32, #tpu.memory_space<vmem>>
        %dma_wait3A_40 = tpu.memref_squeeze %dma_wait3A_39 : memref<1x128xi32, #tpu.memory_space<vmem>> -> memref<128xi32, #tpu.memory_space<vmem>>
        %dma_wait3A_41 = arith.constant 0 : i32
        %dma_wait3A_42 = arith.constant 0 : i32
        %dma_wait3A_43 = tpu.memref_slice %arg8[%dma_wait3A_41, %dma_wait3A_42] : memref<10008x16xf32, #tpu.memory_space<vmem_shared>> -> memref<10008x16xf32, #tpu.memory_space<vmem_shared>>
        tpu.wait_indirect_dma semaphore(%run_scoped3A_33 : memref<!tpu.dma_semaphore, #tpu.memory_space<semaphore_mem>>) src(%arg7 : memref<128x16xf32, #tpu.memory_space<vmem>>) dst(%dma_wait3A_43 : memref<10008x16xf32, #tpu.memory_space<vmem_shared>>)
        tpu.yield
      }) : () -> ()
    }
    %scan3A_11 = arith.constant 10 : i32
    %barrier3A_12 = arith.constant 0 : index
    tpu.barrier barrier_id(%barrier3A_12)
    %lt3A_13 = arith.constant 15 : i32
    %lt3A_14 = arith.cmpi slt, %arg1, %lt3A_13 : i32
    %convert_element_type3A_15 = arith.extui %lt3A_14 : i1 to i32
    %cond3A_16 = arith.constant 0 : i32
    %cond3A_17 = arith.cmpi ne, %convert_element_type3A_15, %cond3A_16 : i32
    scf.if %cond3A_17 {
      %mul3A_23 = arith.constant 624 : i32
      %mul3A_24 = arith.muli %arg1, %mul3A_23 : i32
      "tpu.region"() ({
        %run_scoped3A = tpu.sem_alloc : memref<!tpu.dma_semaphore, #tpu.memory_space<semaphore_mem>>
        %dma_start3A = arith.constant 0 : i32
        %dma_start3A_25 = tpu.memref_slice %arg5[%arg0, %mul3A_24, %dma_start3A] : memref<2x10000x16xf32, #tpu.memory_space<hbm>> -> memref<1x624x16xf32, #tpu.memory_space<hbm>>
        %dma_start3A_26 = tpu.memref_squeeze %dma_start3A_25 : memref<1x624x16xf32, #tpu.memory_space<hbm>> -> memref<624x16xf32, #tpu.memory_space<hbm>>
        %dma_start3A_27 = arith.constant 0 : i32
        %dma_start3A_28 = tpu.memref_slice %arg8[%mul3A_24, %dma_start3A_27] : memref<10008x16xf32, #tpu.memory_space<vmem_shared>> -> memref<624x16xf32, #tpu.memory_space<vmem_shared>>
        tpu.enqueue_dma source(%dma_start3A_28 : memref<624x16xf32, #tpu.memory_space<vmem_shared>>) target(%dma_start3A_26 : memref<624x16xf32, #tpu.memory_space<hbm>>) target_semaphore(%run_scoped3A : memref<!tpu.dma_semaphore, #tpu.memory_space<semaphore_mem>>)
        %dma_wait3A = arith.constant 0 : i32
        %dma_wait3A_29 = tpu.memref_slice %arg5[%arg0, %mul3A_24, %dma_wait3A] : memref<2x10000x16xf32, #tpu.memory_space<hbm>> -> memref<1x624x16xf32, #tpu.memory_space<hbm>>
        %dma_wait3A_30 = tpu.memref_squeeze %dma_wait3A_29 : memref<1x624x16xf32, #tpu.memory_space<hbm>> -> memref<624x16xf32, #tpu.memory_space<hbm>>
        %dma_wait3A_31 = arith.constant 0 : i32
        %dma_wait3A_32 = tpu.memref_slice %arg8[%mul3A_24, %dma_wait3A_31] : memref<10008x16xf32, #tpu.memory_space<vmem_shared>> -> memref<624x16xf32, #tpu.memory_space<vmem_shared>>
        tpu.wait_dma2 semaphore(%run_scoped3A : memref<!tpu.dma_semaphore, #tpu.memory_space<semaphore_mem>>) src(%dma_wait3A_32 : memref<624x16xf32, #tpu.memory_space<vmem_shared>>) dst(%dma_wait3A_30 : memref<624x16xf32, #tpu.memory_space<hbm>>)
        tpu.yield
      }) : () -> ()
    } else {
    }
    %eq3A_18 = arith.constant 15 : i32
    %eq3A_19 = arith.cmpi eq, %arg1, %eq3A_18 : i32
    %convert_element_type3A_20 = arith.extui %eq3A_19 : i1 to i32
    %cond3A_21 = arith.constant 0 : i32
    %cond3A_22 = arith.cmpi ne, %convert_element_type3A_20, %cond3A_21 : i32
    scf.if %cond3A_22 {
      "tpu.region"() ({
        %run_scoped3A = tpu.sem_alloc : memref<!tpu.dma_semaphore, #tpu.memory_space<semaphore_mem>>
        %dma_start3A = arith.constant 9360 : i32
        %dma_start3A_23 = arith.constant 0 : i32
        %dma_start3A_24 = tpu.memref_slice %arg5[%arg0, %dma_start3A, %dma_start3A_23] : memref<2x10000x16xf32, #tpu.memory_space<hbm>> -> memref<1x640x16xf32, #tpu.memory_space<hbm>>
        %dma_start3A_25 = tpu.memref_squeeze %dma_start3A_24 : memref<1x640x16xf32, #tpu.memory_space<hbm>> -> memref<640x16xf32, #tpu.memory_space<hbm>>
        %dma_start3A_26 = arith.constant 9360 : i32
        %dma_start3A_27 = arith.constant 0 : i32
        %dma_start3A_28 = tpu.memref_slice %arg8[%dma_start3A_26, %dma_start3A_27] : memref<10008x16xf32, #tpu.memory_space<vmem_shared>> -> memref<640x16xf32, #tpu.memory_space<vmem_shared>>
        tpu.enqueue_dma source(%dma_start3A_28 : memref<640x16xf32, #tpu.memory_space<vmem_shared>>) target(%dma_start3A_25 : memref<640x16xf32, #tpu.memory_space<hbm>>) target_semaphore(%run_scoped3A : memref<!tpu.dma_semaphore, #tpu.memory_space<semaphore_mem>>)
        %dma_wait3A = arith.constant 9360 : i32
        %dma_wait3A_29 = arith.constant 0 : i32
        %dma_wait3A_30 = tpu.memref_slice %arg5[%arg0, %dma_wait3A, %dma_wait3A_29] : memref<2x10000x16xf32, #tpu.memory_space<hbm>> -> memref<1x640x16xf32, #tpu.memory_space<hbm>>
        %dma_wait3A_31 = tpu.memref_squeeze %dma_wait3A_30 : memref<1x640x16xf32, #tpu.memory_space<hbm>> -> memref<640x16xf32, #tpu.memory_space<hbm>>
        %dma_wait3A_32 = arith.constant 9360 : i32
        %dma_wait3A_33 = arith.constant 0 : i32
        %dma_wait3A_34 = tpu.memref_slice %arg8[%dma_wait3A_32, %dma_wait3A_33] : memref<10008x16xf32, #tpu.memory_space<vmem_shared>> -> memref<640x16xf32, #tpu.memory_space<vmem_shared>>
        tpu.wait_dma2 semaphore(%run_scoped3A : memref<!tpu.dma_semaphore, #tpu.memory_space<semaphore_mem>>) src(%dma_wait3A_34 : memref<640x16xf32, #tpu.memory_space<vmem_shared>>) dst(%dma_wait3A_31 : memref<640x16xf32, #tpu.memory_space<hbm>>)
        tpu.yield
      }) : () -> ()
    } else {
    }
    return
  }
}

#map = affine_map<(d0, d1) -> (0, 0)>
#map1 = affine_map<(d0, d1) -> (0)>
#map2 = affine_map<(d0, d1) -> (0, 0, 0)>
module attributes {stable_mosaic.version = 14 : i64} {
  func.func @_scat_body(%arg0: i32, %arg1: i32, %arg2: memref<10008x128xf32, #tpu.memory_space<hbm>>, %arg3: memref<327680xi32, #tpu.memory_space<hbm>>, %arg4: memref<327680xi32, #tpu.memory_space<hbm>>, %arg5: memref<2x10000x128xf32, #tpu.memory_space<hbm>>, %arg6: memref<80xi32, #tpu.memory_space<vmem>>, %arg7: memref<80xi32, #tpu.memory_space<vmem>>, %arg8: memref<80x128xf32, #tpu.memory_space<vmem>>, %arg9: memref<10008x128xf32, #tpu.memory_space<vmem_shared>>, %arg10: memref<!tpu.dma_semaphore, #tpu.memory_space<semaphore_mem>>) attributes {dimension_semantics = [#tpu.dimension_semantics<core_parallel>, #tpu.dimension_semantics<subcore_parallel>], iteration_bounds = array<i64: 2, 16>, scalar_prefetch = 0 : i64, scratch_operands = 5 : i64, tpu.core_type = #tpu.core_type<sc_vector_subcore>, window_params = [{transform_indices = #map}, {transform_indices = #map1}, {transform_indices = #map1}, {transform_indices = #map2}]} {
    %mul3A = arith.constant 16 : i32
    %mul3A_0 = arith.muli %arg0, %mul3A : i32
    %add3A = arith.addi %mul3A_0, %arg1 : i32
    %lt3A = arith.constant 15 : i32
    %lt3A_1 = arith.cmpi slt, %arg1, %lt3A : i32
    %convert_element_type3A = arith.extui %lt3A_1 : i1 to i32
    %cond3A = arith.constant 0 : i32
    %cond3A_2 = arith.cmpi ne, %convert_element_type3A, %cond3A : i32
    scf.if %cond3A_2 {
      %mul3A_25 = arith.constant 624 : i32
      %mul3A_26 = arith.muli %arg1, %mul3A_25 : i32
      "tpu.region"() ({
        %run_scoped3A = tpu.sem_alloc : memref<!tpu.dma_semaphore, #tpu.memory_space<semaphore_mem>>
        %dma_start3A = arith.constant 0 : i32
        %dma_start3A_27 = tpu.memref_slice %arg9[%mul3A_26, %dma_start3A] : memref<10008x128xf32, #tpu.memory_space<vmem_shared>> -> memref<624x128xf32, #tpu.memory_space<vmem_shared>>
        %dma_start3A_28 = arith.constant 0 : i32
        %dma_start3A_29 = tpu.memref_slice %arg2[%mul3A_26, %dma_start3A_28] : memref<10008x128xf32, #tpu.memory_space<hbm>> -> memref<624x128xf32, #tpu.memory_space<hbm>>
        tpu.enqueue_dma source(%dma_start3A_29 : memref<624x128xf32, #tpu.memory_space<hbm>>) target(%dma_start3A_27 : memref<624x128xf32, #tpu.memory_space<vmem_shared>>) target_semaphore(%run_scoped3A : memref<!tpu.dma_semaphore, #tpu.memory_space<semaphore_mem>>)
        %dma_wait3A = arith.constant 0 : i32
        %dma_wait3A_30 = tpu.memref_slice %arg9[%mul3A_26, %dma_wait3A] : memref<10008x128xf32, #tpu.memory_space<vmem_shared>> -> memref<624x128xf32, #tpu.memory_space<vmem_shared>>
        %dma_wait3A_31 = arith.constant 0 : i32
        %dma_wait3A_32 = tpu.memref_slice %arg2[%mul3A_26, %dma_wait3A_31] : memref<10008x128xf32, #tpu.memory_space<hbm>> -> memref<624x128xf32, #tpu.memory_space<hbm>>
        tpu.wait_dma2 semaphore(%run_scoped3A : memref<!tpu.dma_semaphore, #tpu.memory_space<semaphore_mem>>) src(%dma_wait3A_32 : memref<624x128xf32, #tpu.memory_space<hbm>>) dst(%dma_wait3A_30 : memref<624x128xf32, #tpu.memory_space<vmem_shared>>)
        tpu.yield
      }) : () -> ()
    } else {
    }
    %eq3A = arith.constant 15 : i32
    %eq3A_3 = arith.cmpi eq, %arg1, %eq3A : i32
    %convert_element_type3A_4 = arith.extui %eq3A_3 : i1 to i32
    %cond3A_5 = arith.constant 0 : i32
    %cond3A_6 = arith.cmpi ne, %convert_element_type3A_4, %cond3A_5 : i32
    scf.if %cond3A_6 {
      "tpu.region"() ({
        %run_scoped3A = tpu.sem_alloc : memref<!tpu.dma_semaphore, #tpu.memory_space<semaphore_mem>>
        %dma_start3A = arith.constant 9360 : i32
        %dma_start3A_25 = arith.constant 0 : i32
        %dma_start3A_26 = tpu.memref_slice %arg9[%dma_start3A, %dma_start3A_25] : memref<10008x128xf32, #tpu.memory_space<vmem_shared>> -> memref<640x128xf32, #tpu.memory_space<vmem_shared>>
        %dma_start3A_27 = arith.constant 9360 : i32
        %dma_start3A_28 = arith.constant 0 : i32
        %dma_start3A_29 = tpu.memref_slice %arg2[%dma_start3A_27, %dma_start3A_28] : memref<10008x128xf32, #tpu.memory_space<hbm>> -> memref<640x128xf32, #tpu.memory_space<hbm>>
        tpu.enqueue_dma source(%dma_start3A_29 : memref<640x128xf32, #tpu.memory_space<hbm>>) target(%dma_start3A_26 : memref<640x128xf32, #tpu.memory_space<vmem_shared>>) target_semaphore(%run_scoped3A : memref<!tpu.dma_semaphore, #tpu.memory_space<semaphore_mem>>)
        %dma_wait3A = arith.constant 9360 : i32
        %dma_wait3A_30 = arith.constant 0 : i32
        %dma_wait3A_31 = tpu.memref_slice %arg9[%dma_wait3A, %dma_wait3A_30] : memref<10008x128xf32, #tpu.memory_space<vmem_shared>> -> memref<640x128xf32, #tpu.memory_space<vmem_shared>>
        %dma_wait3A_32 = arith.constant 9360 : i32
        %dma_wait3A_33 = arith.constant 0 : i32
        %dma_wait3A_34 = tpu.memref_slice %arg2[%dma_wait3A_32, %dma_wait3A_33] : memref<10008x128xf32, #tpu.memory_space<hbm>> -> memref<640x128xf32, #tpu.memory_space<hbm>>
        tpu.wait_dma2 semaphore(%run_scoped3A : memref<!tpu.dma_semaphore, #tpu.memory_space<semaphore_mem>>) src(%dma_wait3A_34 : memref<640x128xf32, #tpu.memory_space<hbm>>) dst(%dma_wait3A_31 : memref<640x128xf32, #tpu.memory_space<vmem_shared>>)
        tpu.yield
      }) : () -> ()
    } else {
    }
    %barrier3A = arith.constant 0 : index
    tpu.barrier barrier_id(%barrier3A)
    %mul3A_7 = arith.constant 10240 : i32
    %mul3A_8 = arith.muli %add3A, %mul3A_7 : i32
    %scan3A = arith.constant 0 : i32
    %scan3A_9 = arith.constant 0 : i32
    %scan3A_10 = arith.constant 125 : i32
    %scan3A_11 = arith.addi %scan3A_9, %scan3A_10 : i32
    %scan3A_12 = arith.constant 1 : i32
    scf.for %scan3A_25 = %scan3A_9 to %scan3A_11 step %scan3A_12  : i32 {
      %mul3A_26 = arith.constant 80 : i32
      %mul3A_27 = arith.muli %scan3A_25, %mul3A_26 : i32
      %add3A_28 = arith.addi %mul3A_8, %mul3A_27 : i32
      "tpu.region"() ({
        %run_scoped3A = tpu.sem_alloc : memref<!tpu.dma_semaphore, #tpu.memory_space<semaphore_mem>>
        %dma_start3A_33 = tpu.memref_slice %arg3[%add3A_28] : memref<327680xi32, #tpu.memory_space<hbm>> -> memref<80xi32, #tpu.memory_space<hbm>>
        %dma_start3A_34 = tpu.memref_slice %arg3[%add3A_28] : memref<327680xi32, #tpu.memory_space<hbm>> -> memref<80xi32, #tpu.memory_space<hbm>>
        tpu.enqueue_dma source(%dma_start3A_34 : memref<80xi32, #tpu.memory_space<hbm>>) target(%arg6 : memref<80xi32, #tpu.memory_space<vmem>>) target_semaphore(%run_scoped3A : memref<!tpu.dma_semaphore, #tpu.memory_space<semaphore_mem>>)
        %dma_wait3A_35 = tpu.memref_slice %arg3[%add3A_28] : memref<327680xi32, #tpu.memory_space<hbm>> -> memref<80xi32, #tpu.memory_space<hbm>>
        %dma_wait3A_36 = tpu.memref_slice %arg3[%add3A_28] : memref<327680xi32, #tpu.memory_space<hbm>> -> memref<80xi32, #tpu.memory_space<hbm>>
        tpu.wait_dma2 semaphore(%run_scoped3A : memref<!tpu.dma_semaphore, #tpu.memory_space<semaphore_mem>>) src(%dma_wait3A_36 : memref<80xi32, #tpu.memory_space<hbm>>) dst(%arg6 : memref<80xi32, #tpu.memory_space<vmem>>)
        tpu.yield
      }) : () -> ()
      "tpu.region"() ({
        %run_scoped3A = tpu.sem_alloc : memref<!tpu.dma_semaphore, #tpu.memory_space<semaphore_mem>>
        %dma_start3A_33 = tpu.memref_slice %arg4[%add3A_28] : memref<327680xi32, #tpu.memory_space<hbm>> -> memref<80xi32, #tpu.memory_space<hbm>>
        %dma_start3A_34 = tpu.memref_slice %arg4[%add3A_28] : memref<327680xi32, #tpu.memory_space<hbm>> -> memref<80xi32, #tpu.memory_space<hbm>>
        tpu.enqueue_dma source(%dma_start3A_34 : memref<80xi32, #tpu.memory_space<hbm>>) target(%arg7 : memref<80xi32, #tpu.memory_space<vmem>>) target_semaphore(%run_scoped3A : memref<!tpu.dma_semaphore, #tpu.memory_space<semaphore_mem>>)
        %dma_wait3A_35 = tpu.memref_slice %arg4[%add3A_28] : memref<327680xi32, #tpu.memory_space<hbm>> -> memref<80xi32, #tpu.memory_space<hbm>>
        %dma_wait3A_36 = tpu.memref_slice %arg4[%add3A_28] : memref<327680xi32, #tpu.memory_space<hbm>> -> memref<80xi32, #tpu.memory_space<hbm>>
        tpu.wait_dma2 semaphore(%run_scoped3A : memref<!tpu.dma_semaphore, #tpu.memory_space<semaphore_mem>>) src(%dma_wait3A_36 : memref<80xi32, #tpu.memory_space<hbm>>) dst(%arg7 : memref<80xi32, #tpu.memory_space<vmem>>)
        tpu.yield
      }) : () -> ()
      %dma_start3A = arith.constant 0 : i32
      %dma_start3A_29 = arith.constant 0 : i32
      %dma_start3A_30 = tpu.memref_slice %arg2[%dma_start3A, %dma_start3A_29] : memref<10008x128xf32, #tpu.memory_space<hbm>> -> memref<10008x128xf32, #tpu.memory_space<hbm>>
      tpu.enqueue_indirect_dma source(%dma_start3A_30 : memref<10008x128xf32, #tpu.memory_space<hbm>>) target(%arg8 : memref<80x128xf32, #tpu.memory_space<vmem>>) offsets(%arg6 : memref<80xi32, #tpu.memory_space<vmem>>) semaphore(%arg10 : memref<!tpu.dma_semaphore, #tpu.memory_space<semaphore_mem>>)
      %dma_wait3A = arith.constant 0 : i32
      %dma_wait3A_31 = arith.constant 0 : i32
      %dma_wait3A_32 = tpu.memref_slice %arg2[%dma_wait3A, %dma_wait3A_31] : memref<10008x128xf32, #tpu.memory_space<hbm>> -> memref<10008x128xf32, #tpu.memory_space<hbm>>
      tpu.wait_indirect_dma semaphore(%arg10 : memref<!tpu.dma_semaphore, #tpu.memory_space<semaphore_mem>>) src(%dma_wait3A_32 : memref<10008x128xf32, #tpu.memory_space<hbm>>) dst(%arg8 : memref<80x128xf32, #tpu.memory_space<vmem>>)
      "tpu.region"() ({
        %run_scoped3A = tpu.sem_alloc : memref<!tpu.dma_semaphore, #tpu.memory_space<semaphore_mem>>
        %dma_start3A_33 = arith.constant 0 : i32
        %dma_start3A_34 = arith.constant 0 : i32
        %dma_start3A_35 = tpu.memref_slice %arg9[%dma_start3A_33, %dma_start3A_34] : memref<10008x128xf32, #tpu.memory_space<vmem_shared>> -> memref<10008x128xf32, #tpu.memory_space<vmem_shared>>
        tpu.enqueue_indirect_dma source(%arg8 : memref<80x128xf32, #tpu.memory_space<vmem>>) target(%dma_start3A_35 : memref<10008x128xf32, #tpu.memory_space<vmem_shared>>) offsets(%arg7 : memref<80xi32, #tpu.memory_space<vmem>>) semaphore(%run_scoped3A : memref<!tpu.dma_semaphore, #tpu.memory_space<semaphore_mem>>) {add = true}
        %dma_wait3A_36 = arith.constant 0 : i32
        %dma_wait3A_37 = arith.constant 0 : i32
        %dma_wait3A_38 = tpu.memref_slice %arg9[%dma_wait3A_36, %dma_wait3A_37] : memref<10008x128xf32, #tpu.memory_space<vmem_shared>> -> memref<10008x128xf32, #tpu.memory_space<vmem_shared>>
        tpu.wait_indirect_dma semaphore(%run_scoped3A : memref<!tpu.dma_semaphore, #tpu.memory_space<semaphore_mem>>) src(%arg8 : memref<80x128xf32, #tpu.memory_space<vmem>>) dst(%dma_wait3A_38 : memref<10008x128xf32, #tpu.memory_space<vmem_shared>>)
        tpu.yield
      }) : () -> ()
    }
    %scan3A_13 = arith.constant 125 : i32
    %barrier3A_14 = arith.constant 0 : index
    tpu.barrier barrier_id(%barrier3A_14)
    %lt3A_15 = arith.constant 15 : i32
    %lt3A_16 = arith.cmpi slt, %arg1, %lt3A_15 : i32
    %convert_element_type3A_17 = arith.extui %lt3A_16 : i1 to i32
    %cond3A_18 = arith.constant 0 : i32
    %cond3A_19 = arith.cmpi ne, %convert_element_type3A_17, %cond3A_18 : i32
    scf.if %cond3A_19 {
      %mul3A_25 = arith.constant 624 : i32
      %mul3A_26 = arith.muli %arg1, %mul3A_25 : i32
      "tpu.region"() ({
        %run_scoped3A = tpu.sem_alloc : memref<!tpu.dma_semaphore, #tpu.memory_space<semaphore_mem>>
        %dma_start3A = arith.constant 0 : i32
        %dma_start3A_27 = tpu.memref_slice %arg5[%arg0, %mul3A_26, %dma_start3A] : memref<2x10000x128xf32, #tpu.memory_space<hbm>> -> memref<1x624x128xf32, #tpu.memory_space<hbm>>
        %dma_start3A_28 = tpu.memref_squeeze %dma_start3A_27 : memref<1x624x128xf32, #tpu.memory_space<hbm>> -> memref<624x128xf32, #tpu.memory_space<hbm>>
        %dma_start3A_29 = arith.constant 0 : i32
        %dma_start3A_30 = tpu.memref_slice %arg9[%mul3A_26, %dma_start3A_29] : memref<10008x128xf32, #tpu.memory_space<vmem_shared>> -> memref<624x128xf32, #tpu.memory_space<vmem_shared>>
        tpu.enqueue_dma source(%dma_start3A_30 : memref<624x128xf32, #tpu.memory_space<vmem_shared>>) target(%dma_start3A_28 : memref<624x128xf32, #tpu.memory_space<hbm>>) target_semaphore(%run_scoped3A : memref<!tpu.dma_semaphore, #tpu.memory_space<semaphore_mem>>)
        %dma_wait3A = arith.constant 0 : i32
        %dma_wait3A_31 = tpu.memref_slice %arg5[%arg0, %mul3A_26, %dma_wait3A] : memref<2x10000x128xf32, #tpu.memory_space<hbm>> -> memref<1x624x128xf32, #tpu.memory_space<hbm>>
        %dma_wait3A_32 = tpu.memref_squeeze %dma_wait3A_31 : memref<1x624x128xf32, #tpu.memory_space<hbm>> -> memref<624x128xf32, #tpu.memory_space<hbm>>
        %dma_wait3A_33 = arith.constant 0 : i32
        %dma_wait3A_34 = tpu.memref_slice %arg9[%mul3A_26, %dma_wait3A_33] : memref<10008x128xf32, #tpu.memory_space<vmem_shared>> -> memref<624x128xf32, #tpu.memory_space<vmem_shared>>
        tpu.wait_dma2 semaphore(%run_scoped3A : memref<!tpu.dma_semaphore, #tpu.memory_space<semaphore_mem>>) src(%dma_wait3A_34 : memref<624x128xf32, #tpu.memory_space<vmem_shared>>) dst(%dma_wait3A_32 : memref<624x128xf32, #tpu.memory_space<hbm>>)
        tpu.yield
      }) : () -> ()
    } else {
    }
    %eq3A_20 = arith.constant 15 : i32
    %eq3A_21 = arith.cmpi eq, %arg1, %eq3A_20 : i32
    %convert_element_type3A_22 = arith.extui %eq3A_21 : i1 to i32
    %cond3A_23 = arith.constant 0 : i32
    %cond3A_24 = arith.cmpi ne, %convert_element_type3A_22, %cond3A_23 : i32
    scf.if %cond3A_24 {
      "tpu.region"() ({
        %run_scoped3A = tpu.sem_alloc : memref<!tpu.dma_semaphore, #tpu.memory_space<semaphore_mem>>
        %dma_start3A = arith.constant 9360 : i32
        %dma_start3A_25 = arith.constant 0 : i32
        %dma_start3A_26 = tpu.memref_slice %arg5[%arg0, %dma_start3A, %dma_start3A_25] : memref<2x10000x128xf32, #tpu.memory_space<hbm>> -> memref<1x640x128xf32, #tpu.memory_space<hbm>>
        %dma_start3A_27 = tpu.memref_squeeze %dma_start3A_26 : memref<1x640x128xf32, #tpu.memory_space<hbm>> -> memref<640x128xf32, #tpu.memory_space<hbm>>
        %dma_start3A_28 = arith.constant 9360 : i32
        %dma_start3A_29 = arith.constant 0 : i32
        %dma_start3A_30 = tpu.memref_slice %arg9[%dma_start3A_28, %dma_start3A_29] : memref<10008x128xf32, #tpu.memory_space<vmem_shared>> -> memref<640x128xf32, #tpu.memory_space<vmem_shared>>
        tpu.enqueue_dma source(%dma_start3A_30 : memref<640x128xf32, #tpu.memory_space<vmem_shared>>) target(%dma_start3A_27 : memref<640x128xf32, #tpu.memory_space<hbm>>) target_semaphore(%run_scoped3A : memref<!tpu.dma_semaphore, #tpu.memory_space<semaphore_mem>>)
        %dma_wait3A = arith.constant 9360 : i32
        %dma_wait3A_31 = arith.constant 0 : i32
        %dma_wait3A_32 = tpu.memref_slice %arg5[%arg0, %dma_wait3A, %dma_wait3A_31] : memref<2x10000x128xf32, #tpu.memory_space<hbm>> -> memref<1x640x128xf32, #tpu.memory_space<hbm>>
        %dma_wait3A_33 = tpu.memref_squeeze %dma_wait3A_32 : memref<1x640x128xf32, #tpu.memory_space<hbm>> -> memref<640x128xf32, #tpu.memory_space<hbm>>
        %dma_wait3A_34 = arith.constant 9360 : i32
        %dma_wait3A_35 = arith.constant 0 : i32
        %dma_wait3A_36 = tpu.memref_slice %arg9[%dma_wait3A_34, %dma_wait3A_35] : memref<10008x128xf32, #tpu.memory_space<vmem_shared>> -> memref<640x128xf32, #tpu.memory_space<vmem_shared>>
        tpu.wait_dma2 semaphore(%run_scoped3A : memref<!tpu.dma_semaphore, #tpu.memory_space<semaphore_mem>>) src(%dma_wait3A_36 : memref<640x128xf32, #tpu.memory_space<vmem_shared>>) dst(%dma_wait3A_33 : memref<640x128xf32, #tpu.memory_space<hbm>>)
        tpu.yield
      }) : () -> ()
    } else {
    }
    return
  }
}

module attributes {stable_mosaic.version = 14 : i64} {
  func.func @_tc_a_body(%arg0: memref<2x10000x16xf32, #tpu.memory_space<vmem>>, %arg1: memref<10000x128xf32, #tpu.memory_space<vmem>>, %arg2: memref<128x128xf32, #tpu.memory_space<vmem>>, %arg3: memref<10000x1xf32, #tpu.memory_space<vmem>>, %arg4: memref<10008x128xf32, #tpu.memory_space<vmem>>) attributes {dimension_semantics = [], scalar_prefetch = 0 : i64, scratch_operands = 0 : i64, tpu.core_type = #tpu.core_type<tc>} {
    %get3A = arith.constant 0 : index
    %get3A_0 = arith.constant 0 : index
    %get3A_1 = arith.constant 0 : index
    %get3A_2 = vector.load %arg0[%get3A, %get3A_0, %get3A_1] : memref<2x10000x16xf32, #tpu.memory_space<vmem>>, vector<1x10000x1xf32>
    %get3A_3 = vector.shape_cast %get3A_2 : vector<1x10000x1xf32> to vector<10000x1xf32>
    %get3A_4 = arith.constant 1 : index
    %get3A_5 = arith.constant 0 : index
    %get3A_6 = arith.constant 0 : index
    %get3A_7 = vector.load %arg0[%get3A_4, %get3A_5, %get3A_6] : memref<2x10000x16xf32, #tpu.memory_space<vmem>>, vector<1x10000x1xf32>
    %get3A_8 = vector.shape_cast %get3A_7 : vector<1x10000x1xf32> to vector<10000x1xf32>
    %add3A = arith.addf %get3A_3, %get3A_8 : vector<10000x1xf32>
    %sub3A = arith.constant 1.000000e+00 : f32
    %sub3A_9 = vector.broadcast %sub3A : f32 to vector<10000x1xf32>
    %sub3A_10 = arith.subf %add3A, %sub3A_9 : vector<10000x1xf32>
    %rsqrt3A = math.rsqrt %sub3A_10 : vector<10000x1xf32>
    %swap3A = arith.constant 0 : index
    %swap3A_11 = arith.constant 0 : index
    %swap3A_12 = vector.load %arg3[%swap3A, %swap3A_11] : memref<10000x1xf32, #tpu.memory_space<vmem>>, vector<10000x1xf32>
    tpu.vector_store %arg3[%swap3A, %swap3A_11], %rsqrt3A {strides = array<i32>} : memref<10000x1xf32, #tpu.memory_space<vmem>>, vector<10000x1xf32>,
    %get3A_13 = arith.constant 0 : index
    %get3A_14 = arith.constant 0 : index
    %get3A_15 = vector.load %arg1[%get3A_13, %get3A_14] : memref<10000x128xf32, #tpu.memory_space<vmem>>, vector<10000x128xf32>
    %get3A_16 = arith.constant 0 : index
    %get3A_17 = arith.constant 0 : index
    %get3A_18 = vector.load %arg2[%get3A_16, %get3A_17] : memref<128x128xf32, #tpu.memory_space<vmem>>, vector<128x128xf32>
    %dot_general3A = arith.constant dense<0.000000e+00> : vector<10000x128xf32>
    %dot_general3A_19 = tpu.matmul %get3A_15, %get3A_18, %dot_general3A {dimension_numbers = #tpu.dot_dimension_numbers<[1], [0], [0], [1], [0, 0, 1, 1], [], []>, transpose_lhs_hint = false} : vector<10000x128xf32>, vector<128x128xf32>, vector<10000x128xf32> -> vector<10000x128xf32>
    %mul3A = vector.broadcast %rsqrt3A : vector<10000x1xf32> to vector<10000x128xf32>
    %mul3A_20 = arith.mulf %mul3A, %dot_general3A_19 : vector<10000x128xf32>
    %swap3A_21 = arith.constant 0 : index
    %swap3A_22 = arith.constant 0 : index
    %swap3A_23 = vector.load %arg4[%swap3A_21, %swap3A_22] : memref<10008x128xf32, #tpu.memory_space<vmem>>, vector<10000x128xf32>
    tpu.vector_store %arg4[%swap3A_21, %swap3A_22], %mul3A_20 {strides = array<i32>} : memref<10008x128xf32, #tpu.memory_space<vmem>>, vector<10000x128xf32>,
    %broadcast_in_dim3A = arith.constant 0.000000e+00 : f32
    %broadcast_in_dim3A_24 = vector.broadcast %broadcast_in_dim3A : f32 to vector<8x128xf32>
    %swap3A_25 = arith.constant 10000 : index
    %swap3A_26 = arith.constant 0 : index
    %swap3A_27 = vector.load %arg4[%swap3A_25, %swap3A_26] : memref<10008x128xf32, #tpu.memory_space<vmem>>, vector<8x128xf32>
    tpu.vector_store %arg4[%swap3A_25, %swap3A_26], %broadcast_in_dim3A_24 {strides = array<i32>} : memref<10008x128xf32, #tpu.memory_space<vmem>>, vector<8x128xf32>,
    return
  }
}

module attributes {stable_mosaic.version = 14 : i64} {
  func.func @_tc_b_body(%arg0: memref<2x10000x128xf32, #tpu.memory_space<vmem>>, %arg1: memref<10008x128xf32, #tpu.memory_space<vmem>>, %arg2: memref<1x128xf32, #tpu.memory_space<vmem>>, %arg3: memref<10000x1xf32, #tpu.memory_space<vmem>>, %arg4: memref<128x128xf32, #tpu.memory_space<vmem>>, %arg5: memref<10000x128xf32, #tpu.memory_space<vmem>>, %arg6: memref<10008x128xf32, #tpu.memory_space<vmem>>) attributes {dimension_semantics = [], scalar_prefetch = 0 : i64, scratch_operands = 0 : i64, tpu.core_type = #tpu.core_type<tc>} {
    %get3A = arith.constant 0 : index
    %get3A_0 = arith.constant 0 : index
    %get3A_1 = vector.load %arg3[%get3A, %get3A_0] : memref<10000x1xf32, #tpu.memory_space<vmem>>, vector<10000x1xf32>
    %get3A_2 = arith.constant 0 : index
    %get3A_3 = arith.constant 0 : index
    %get3A_4 = vector.load %arg1[%get3A_2, %get3A_3] : memref<10008x128xf32, #tpu.memory_space<vmem>>, vector<10000x128xf32>
    %get3A_5 = arith.constant 0 : index
    %get3A_6 = arith.constant 0 : index
    %get3A_7 = arith.constant 0 : index
    %get3A_8 = vector.load %arg0[%get3A_5, %get3A_6, %get3A_7] : memref<2x10000x128xf32, #tpu.memory_space<vmem>>, vector<1x10000x128xf32>
    %get3A_9 = vector.shape_cast %get3A_8 : vector<1x10000x128xf32> to vector<10000x128xf32>
    %get3A_10 = arith.constant 1 : index
    %get3A_11 = arith.constant 0 : index
    %get3A_12 = arith.constant 0 : index
    %get3A_13 = vector.load %arg0[%get3A_10, %get3A_11, %get3A_12] : memref<2x10000x128xf32, #tpu.memory_space<vmem>>, vector<1x10000x128xf32>
    %get3A_14 = vector.shape_cast %get3A_13 : vector<1x10000x128xf32> to vector<10000x128xf32>
    %add3A = arith.addf %get3A_9, %get3A_14 : vector<10000x128xf32>
    %sub3A = arith.subf %add3A, %get3A_4 : vector<10000x128xf32>
    %mul3A = vector.broadcast %get3A_1 : vector<10000x1xf32> to vector<10000x128xf32>
    %mul3A_15 = arith.mulf %mul3A, %sub3A : vector<10000x128xf32>
    %get3A_16 = arith.constant 0 : index
    %get3A_17 = arith.constant 0 : index
    %get3A_18 = vector.load %arg2[%get3A_16, %get3A_17] : memref<1x128xf32, #tpu.memory_space<vmem>>, vector<1x128xf32>
    %add3A_19 = vector.broadcast %get3A_18 : vector<1x128xf32> to vector<10000x128xf32>
    %add3A_20 = arith.addf %mul3A_15, %add3A_19 : vector<10000x128xf32>
    %gt3A = arith.constant 0.000000e+00 : f32
    %gt3A_21 = vector.broadcast %gt3A : f32 to vector<10000x128xf32>
    %gt3A_22 = arith.cmpf ogt, %add3A_20, %gt3A_21 : vector<10000x128xf32>
    %min3A = arith.constant 0.000000e+00 : f32
    %min3A_23 = vector.broadcast %min3A : f32 to vector<10000x128xf32>
    %min3A_24 = arith.minimumf %add3A_20, %min3A_23 : vector<10000x128xf32>
    %exp3A = math.exp %min3A_24 : vector<10000x128xf32>
    %sub3A_25 = arith.constant 1.000000e+00 : f32
    %sub3A_26 = vector.broadcast %sub3A_25 : f32 to vector<10000x128xf32>
    %sub3A_27 = arith.subf %exp3A, %sub3A_26 : vector<10000x128xf32>
    %select_n3A = arith.select %gt3A_22, %add3A_20, %sub3A_27 : vector<10000x128xi1>, vector<10000x128xf32>
    %swap3A = arith.constant 0 : index
    %swap3A_28 = arith.constant 0 : index
    %swap3A_29 = vector.load %arg5[%swap3A, %swap3A_28] : memref<10000x128xf32, #tpu.memory_space<vmem>>, vector<10000x128xf32>
    tpu.vector_store %arg5[%swap3A, %swap3A_28], %select_n3A {strides = array<i32>} : memref<10000x128xf32, #tpu.memory_space<vmem>>, vector<10000x128xf32>,
    %get3A_30 = arith.constant 0 : index
    %get3A_31 = arith.constant 0 : index
    %get3A_32 = vector.load %arg4[%get3A_30, %get3A_31] : memref<128x128xf32, #tpu.memory_space<vmem>>, vector<128x128xf32>
    %dot_general3A = arith.constant dense<0.000000e+00> : vector<10000x128xf32>
    %dot_general3A_33 = tpu.matmul %select_n3A, %get3A_32, %dot_general3A {dimension_numbers = #tpu.dot_dimension_numbers<[1], [0], [0], [1], [0, 0, 1, 1], [], []>, transpose_lhs_hint = false} : vector<10000x128xf32>, vector<128x128xf32>, vector<10000x128xf32> -> vector<10000x128xf32>
    %mul3A_34 = vector.broadcast %get3A_1 : vector<10000x1xf32> to vector<10000x128xf32>
    %mul3A_35 = arith.mulf %mul3A_34, %dot_general3A_33 : vector<10000x128xf32>
    %swap3A_36 = arith.constant 0 : index
    %swap3A_37 = arith.constant 0 : index
    %swap3A_38 = vector.load %arg6[%swap3A_36, %swap3A_37] : memref<10008x128xf32, #tpu.memory_space<vmem>>, vector<10000x128xf32>
    tpu.vector_store %arg6[%swap3A_36, %swap3A_37], %mul3A_35 {strides = array<i32>} : memref<10008x128xf32, #tpu.memory_space<vmem>>, vector<10000x128xf32>,
    %broadcast_in_dim3A = arith.constant 0.000000e+00 : f32
    %broadcast_in_dim3A_39 = vector.broadcast %broadcast_in_dim3A : f32 to vector<8x128xf32>
    %swap3A_40 = arith.constant 10000 : index
    %swap3A_41 = arith.constant 0 : index
    %swap3A_42 = vector.load %arg6[%swap3A_40, %swap3A_41] : memref<10008x128xf32, #tpu.memory_space<vmem>>, vector<8x128xf32>
    tpu.vector_store %arg6[%swap3A_40, %swap3A_41], %broadcast_in_dim3A_39 {strides = array<i32>} : memref<10008x128xf32, #tpu.memory_space<vmem>>, vector<8x128xf32>,
    return
  }
}

module attributes {stable_mosaic.version = 14 : i64} {
  func.func @_tc_c_body(%arg0: memref<2x10000x128xf32, #tpu.memory_space<vmem>>, %arg1: memref<10008x128xf32, #tpu.memory_space<vmem>>, %arg2: memref<1x128xf32, #tpu.memory_space<vmem>>, %arg3: memref<10000x1xf32, #tpu.memory_space<vmem>>, %arg4: memref<10000x128xf32, #tpu.memory_space<vmem>>, %arg5: memref<1x1xf32, #tpu.memory_space<vmem>>, %arg6: memref<10008x128xf32, #tpu.memory_space<vmem>>) attributes {dimension_semantics = [], scalar_prefetch = 0 : i64, scratch_operands = 0 : i64, tpu.core_type = #tpu.core_type<tc>} {
    %get3A = arith.constant 0 : index
    %get3A_0 = arith.constant 0 : index
    %get3A_1 = vector.load %arg3[%get3A, %get3A_0] : memref<10000x1xf32, #tpu.memory_space<vmem>>, vector<10000x1xf32>
    %get3A_2 = arith.constant 0 : index
    %get3A_3 = arith.constant 0 : index
    %get3A_4 = vector.load %arg1[%get3A_2, %get3A_3] : memref<10008x128xf32, #tpu.memory_space<vmem>>, vector<10000x128xf32>
    %get3A_5 = arith.constant 0 : index
    %get3A_6 = arith.constant 0 : index
    %get3A_7 = arith.constant 0 : index
    %get3A_8 = vector.load %arg0[%get3A_5, %get3A_6, %get3A_7] : memref<2x10000x128xf32, #tpu.memory_space<vmem>>, vector<1x10000x128xf32>
    %get3A_9 = vector.shape_cast %get3A_8 : vector<1x10000x128xf32> to vector<10000x128xf32>
    %get3A_10 = arith.constant 1 : index
    %get3A_11 = arith.constant 0 : index
    %get3A_12 = arith.constant 0 : index
    %get3A_13 = vector.load %arg0[%get3A_10, %get3A_11, %get3A_12] : memref<2x10000x128xf32, #tpu.memory_space<vmem>>, vector<1x10000x128xf32>
    %get3A_14 = vector.shape_cast %get3A_13 : vector<1x10000x128xf32> to vector<10000x128xf32>
    %add3A = arith.addf %get3A_9, %get3A_14 : vector<10000x128xf32>
    %sub3A = arith.subf %add3A, %get3A_4 : vector<10000x128xf32>
    %mul3A = vector.broadcast %get3A_1 : vector<10000x1xf32> to vector<10000x128xf32>
    %mul3A_15 = arith.mulf %mul3A, %sub3A : vector<10000x128xf32>
    %get3A_16 = arith.constant 0 : index
    %get3A_17 = arith.constant 0 : index
    %get3A_18 = vector.load %arg2[%get3A_16, %get3A_17] : memref<1x128xf32, #tpu.memory_space<vmem>>, vector<1x128xf32>
    %add3A_19 = vector.broadcast %get3A_18 : vector<1x128xf32> to vector<10000x128xf32>
    %add3A_20 = arith.addf %mul3A_15, %add3A_19 : vector<10000x128xf32>
    %gt3A = arith.constant 0.000000e+00 : f32
    %gt3A_21 = vector.broadcast %gt3A : f32 to vector<10000x128xf32>
    %gt3A_22 = arith.cmpf ogt, %add3A_20, %gt3A_21 : vector<10000x128xf32>
    %min3A = arith.constant 0.000000e+00 : f32
    %min3A_23 = vector.broadcast %min3A : f32 to vector<10000x128xf32>
    %min3A_24 = arith.minimumf %add3A_20, %min3A_23 : vector<10000x128xf32>
    %exp3A = math.exp %min3A_24 : vector<10000x128xf32>
    %sub3A_25 = arith.constant 1.000000e+00 : f32
    %sub3A_26 = vector.broadcast %sub3A_25 : f32 to vector<10000x128xf32>
    %sub3A_27 = arith.subf %exp3A, %sub3A_26 : vector<10000x128xf32>
    %select_n3A = arith.select %gt3A_22, %add3A_20, %sub3A_27 : vector<10000x128xi1>, vector<10000x128xf32>
    %get3A_28 = arith.constant 0 : index
    %get3A_29 = arith.constant 0 : index
    %get3A_30 = vector.load %arg5[%get3A_28, %get3A_29] : memref<1x1xf32, #tpu.memory_space<vmem>>, vector<1x1xf32>
    %get3A_31 = vector.extract %get3A_30[0, 0] : f32 from vector<1x1xf32>
    %get3A_32 = arith.constant 0 : index
    %get3A_33 = arith.constant 0 : index
    %get3A_34 = vector.load %arg4[%get3A_32, %get3A_33] : memref<10000x128xf32, #tpu.memory_space<vmem>>, vector<10000x128xf32>
    %mul3A_35 = vector.broadcast %get3A_31 : f32 to vector<10000x128xf32>
    %mul3A_36 = arith.mulf %mul3A_35, %get3A_34 : vector<10000x128xf32>
    %add3A_37 = arith.addf %select_n3A, %mul3A_36 : vector<10000x128xf32>
    %mul3A_38 = vector.broadcast %get3A_1 : vector<10000x1xf32> to vector<10000x128xf32>
    %mul3A_39 = arith.mulf %mul3A_38, %add3A_37 : vector<10000x128xf32>
    %swap3A = arith.constant 0 : index
    %swap3A_40 = arith.constant 0 : index
    %swap3A_41 = vector.load %arg6[%swap3A, %swap3A_40] : memref<10008x128xf32, #tpu.memory_space<vmem>>, vector<10000x128xf32>
    tpu.vector_store %arg6[%swap3A, %swap3A_40], %mul3A_39 {strides = array<i32>} : memref<10008x128xf32, #tpu.memory_space<vmem>>, vector<10000x128xf32>,
    %broadcast_in_dim3A = arith.constant 0.000000e+00 : f32
    %broadcast_in_dim3A_42 = vector.broadcast %broadcast_in_dim3A : f32 to vector<8x128xf32>
    %swap3A_43 = arith.constant 10000 : index
    %swap3A_44 = arith.constant 0 : index
    %swap3A_45 = vector.load %arg6[%swap3A_43, %swap3A_44] : memref<10008x128xf32, #tpu.memory_space<vmem>>, vector<8x128xf32>
    tpu.vector_store %arg6[%swap3A_43, %swap3A_44], %broadcast_in_dim3A_42 {strides = array<i32>} : memref<10008x128xf32, #tpu.memory_space<vmem>>, vector<8x128xf32>,
    return
  }
}

module attributes {stable_mosaic.version = 14 : i64} {
  func.func @_tc_d_body(%arg0: memref<2x10000x128xf32, #tpu.memory_space<vmem>>, %arg1: memref<10008x128xf32, #tpu.memory_space<vmem>>, %arg2: memref<10000x1xf32, #tpu.memory_space<vmem>>, %arg3: memref<128x64xf32, #tpu.memory_space<vmem>>, %arg4: memref<1x64xf32, #tpu.memory_space<vmem>>, %arg5: memref<128x64xf32, #tpu.memory_space<vmem>>, %arg6: memref<1x64xf32, #tpu.memory_space<vmem>>, %arg7: memref<10000x64xf32, #tpu.memory_space<vmem>>, %arg8: memref<10000x64xf32, #tpu.memory_space<vmem>>) attributes {dimension_semantics = [], scalar_prefetch = 0 : i64, scratch_operands = 0 : i64, tpu.core_type = #tpu.core_type<tc>} {
    %get3A = arith.constant 0 : index
    %get3A_0 = arith.constant 0 : index
    %get3A_1 = vector.load %arg2[%get3A, %get3A_0] : memref<10000x1xf32, #tpu.memory_space<vmem>>, vector<10000x1xf32>
    %get3A_2 = arith.constant 0 : index
    %get3A_3 = arith.constant 0 : index
    %get3A_4 = arith.constant 0 : index
    %get3A_5 = vector.load %arg0[%get3A_2, %get3A_3, %get3A_4] : memref<2x10000x128xf32, #tpu.memory_space<vmem>>, vector<1x10000x128xf32>
    %get3A_6 = vector.shape_cast %get3A_5 : vector<1x10000x128xf32> to vector<10000x128xf32>
    %get3A_7 = arith.constant 1 : index
    %get3A_8 = arith.constant 0 : index
    %get3A_9 = arith.constant 0 : index
    %get3A_10 = vector.load %arg0[%get3A_7, %get3A_8, %get3A_9] : memref<2x10000x128xf32, #tpu.memory_space<vmem>>, vector<1x10000x128xf32>
    %get3A_11 = vector.shape_cast %get3A_10 : vector<1x10000x128xf32> to vector<10000x128xf32>
    %add3A = arith.addf %get3A_6, %get3A_11 : vector<10000x128xf32>
    %get3A_12 = arith.constant 0 : index
    %get3A_13 = arith.constant 0 : index
    %get3A_14 = vector.load %arg1[%get3A_12, %get3A_13] : memref<10008x128xf32, #tpu.memory_space<vmem>>, vector<10000x128xf32>
    %sub3A = arith.subf %add3A, %get3A_14 : vector<10000x128xf32>
    %mul3A = vector.broadcast %get3A_1 : vector<10000x1xf32> to vector<10000x128xf32>
    %mul3A_15 = arith.mulf %mul3A, %sub3A : vector<10000x128xf32>
    %get3A_16 = arith.constant 0 : index
    %get3A_17 = arith.constant 0 : index
    %get3A_18 = vector.load %arg3[%get3A_16, %get3A_17] : memref<128x64xf32, #tpu.memory_space<vmem>>, vector<128x64xf32>
    %dot_general3A = arith.constant dense<0.000000e+00> : vector<10000x64xf32>
    %dot_general3A_19 = tpu.matmul %mul3A_15, %get3A_18, %dot_general3A {dimension_numbers = #tpu.dot_dimension_numbers<[1], [0], [0], [1], [0, 0, 1, 1], [], []>, transpose_lhs_hint = false} : vector<10000x128xf32>, vector<128x64xf32>, vector<10000x64xf32> -> vector<10000x64xf32>
    %get3A_20 = arith.constant 0 : index
    %get3A_21 = arith.constant 0 : index
    %get3A_22 = vector.load %arg4[%get3A_20, %get3A_21] : memref<1x64xf32, #tpu.memory_space<vmem>>, vector<1x64xf32>
    %add3A_23 = vector.broadcast %get3A_22 : vector<1x64xf32> to vector<10000x64xf32>
    %add3A_24 = arith.addf %dot_general3A_19, %add3A_23 : vector<10000x64xf32>
    %swap3A = arith.constant 0 : index
    %swap3A_25 = arith.constant 0 : index
    %swap3A_26 = vector.load %arg7[%swap3A, %swap3A_25] : memref<10000x64xf32, #tpu.memory_space<vmem>>, vector<10000x64xf32>
    tpu.vector_store %arg7[%swap3A, %swap3A_25], %add3A_24 {strides = array<i32>} : memref<10000x64xf32, #tpu.memory_space<vmem>>, vector<10000x64xf32>,
    %get3A_27 = arith.constant 0 : index
    %get3A_28 = arith.constant 0 : index
    %get3A_29 = vector.load %arg5[%get3A_27, %get3A_28] : memref<128x64xf32, #tpu.memory_space<vmem>>, vector<128x64xf32>
    %dot_general3A_30 = arith.constant dense<0.000000e+00> : vector<10000x64xf32>
    %dot_general3A_31 = tpu.matmul %mul3A_15, %get3A_29, %dot_general3A_30 {dimension_numbers = #tpu.dot_dimension_numbers<[1], [0], [0], [1], [0, 0, 1, 1], [], []>, transpose_lhs_hint = false} : vector<10000x128xf32>, vector<128x64xf32>, vector<10000x64xf32> -> vector<10000x64xf32>
    %get3A_32 = arith.constant 0 : index
    %get3A_33 = arith.constant 0 : index
    %get3A_34 = vector.load %arg6[%get3A_32, %get3A_33] : memref<1x64xf32, #tpu.memory_space<vmem>>, vector<1x64xf32>
    %add3A_35 = vector.broadcast %get3A_34 : vector<1x64xf32> to vector<10000x64xf32>
    %add3A_36 = arith.addf %dot_general3A_31, %add3A_35 : vector<10000x64xf32>
    %swap3A_37 = arith.constant 0 : index
    %swap3A_38 = arith.constant 0 : index
    %swap3A_39 = vector.load %arg8[%swap3A_37, %swap3A_38] : memref<10000x64xf32, #tpu.memory_space<vmem>>, vector<10000x64xf32>
    tpu.vector_store %arg8[%swap3A_37, %swap3A_38], %add3A_36 {strides = array<i32>} : memref<10000x64xf32, #tpu.memory_space<vmem>>, vector<10000x64xf32>,
    return
  }
}

</mosaic_0001>

<sc_bundles>
// kernel: kernel.10.cloned.1.call-start
scs
__scs_entry_jumppad:
0x0: {  	(pc) =	sbr.rel $0x88, $3  }
0x1: {  	(tag) =	ssettag $0x0;
	lr =	simm.s32 $0x1  }
0x2: {  	[smem:$0x3F96] =	sst lr;
	_ =	strace $0xD0000000  }
0x3: {  	_ = 	snop  }
0x4: {  	_ = 	snop  }
0x5: {  	_ = 	snop  }
0x6: {  	_ = 	snop  }
0x7: {  	_ = 	snop  }
__scs_overlays_trampoline_lowered:
0x8: {  	[smem:$0x3FA5] =	sst s0  }
0x9: {  	[smem:$0x3FA6] =	sst s1  }
0xa: {  	[smem:$0x3FA7] =	sst s2  }
0xb: {  	[smem:$0x3FA8] =	sst s3  }
0xc: {  	[smem:$0x3FA9] =	sst s4  }
0xd: {  	[smem:$0x3FAA] =	sst s5  }
0xe: {  	[smem:$0x3FAB] =	sst s6  }
0xf: {  	[smem:$0x3FAC] =	sst s7  }
0x10: {  	[smem:$0x3FAD] =	sst s8  }
0x11: {  	[smem:$0x3FAE] =	sst s9;
	s0 =	simm.s32 @!p0 $0x0  }
0x12: {  	s1 =	sld [smem:$0x3F94];
	s0 =	simm.s32 @p0 $0x1  }
0x13: {  	[smem:$0x3FAF] =	sst s0;
	s0 =	simm.s32 @!p1 $0x0  }
0x14: {  	s2 =	sld [smem:$0x3F93];
	s0 =	simm.s32 @p1 $0x1  }
0x15: {  	[smem:$0x3FB0] =	sst s0;
	s0 =	simm.s32 @!p2 $0x0  }
0x16: {  	s3 =	sld [smem:$0x3FDB];
	s0 =	simm.s32 @p2 $0x1  }
0x17: {  	s4 =	simm.s32 $0x1BF5;
	[smem:$0x3FB2] =	sst s0  }
0x18: {  	s0 =	sld [smem:$0x3F95];
	_ =	swait.ge [sflag:s4], $0x0  }
0x19: {  	s7 =	sld [smem:$0x3F96]  }
0x1a: {  	s8 =	sadd.s32 $0xFFFFE003, lr  }
0x1b: {  	s9 =	sadd.s32 $0xFFFFFEF7, lr;
	s5 =	simm.s32 $0xFFFFFFFF;
	p2 =	slt.u32 s8, $0xFFFFF086  }
0x1c: {  	p1 =	slt.u32 s9, $0xF7A;
	s5 =	simm.s32 @!p2 $0x0  }
0x1d: {  	s5 =	simm.s32 @p1 $0x1;
	p0 =	seq.s32 s7, s2  }
0x1e: {  	s7 =	smul.u32 @!p0 $0xF7A, s2;
	p2 =	seq.s32 @!p0 s5, $0x0  }
0x1f: {  	s9 =	smul.u32 $0xF7A, s1;
	s8 =	simm.s32 @!p0 $0x1BF5;
	p2 =	por !p2, p0  }
0x20: {  	[sflag:s8] =	ssyncset.s32 @!p0 $0xFFFFF086;
	s6 =	sadd.s32 @!p0 s3, s7;
	s7 =	simm.s32 @!p0 $0x108  }
0x21: {  	s3 =	sadd.s32 s3, s9;
	s6 =	sadd.s32 @!p0 $0x88, s6;
	s7 =	simm.s32 @p2 $0x1082  }
0x22: {  	[simem:s7], [sflag:s8] =	dma.local @!p0 [hbm:s6], $0xF7A  }
0x23: {  	s9 =	sor.u32 $0xD0000000, s2;
	s6 =	simm.s32 $0x108;
	_ =	swait.ge @!p0 [sflag:s8], $0x0  }
0x24: {  	s3 =	sadd.s32 $0x88, s3;
	s6 =	simm.s32 @!p1 $0x1082;
	[sflag:s4] =	ssyncset.s32 $0xFFFFF086  }
0x25: {  	[simem:s6], [sflag:s4] =	dma.local [hbm:s3], $0xF7A  }
0x26: {  	[smem:$0x3F96] =	sst s1;
	(tag) =	ssettag s2;
	_ =	strace s9  }
0x27: {  	s1 =	sld [smem:$0x3FA6]  }
0x28: {  	s2 =	sld [smem:$0x3FA7]  }
0x29: {  	s4 =	sld [smem:$0x3FA9]  }
0x2a: {  	p0 =	seq.s32 s5, $0x0;
	s5 =	sld [smem:$0x3FAA]  }
0x2b: {  	s6 =	sld [smem:$0x3FAB]  }
0x2c: {  	s7 =	sld [smem:$0x3FAC]  }
0x2d: {  	s3 =	simm.s32 $0x108;
	s8 =	sld [smem:$0x3FAD]  }
0x2e: {  	s3 =	simm.s32 @!p0 $0x1082;
	s9 =	sld [smem:$0x3FAE]  }
0x2f: {  	lr =	sadd.s32 s0, s3;
	s0 =	sld [smem:$0x3FA5]  }
0x30: {  	s3 =	sld [smem:$0x3FA8]  }
0x31: {  	[smem:$0x3FB1] =	sst s10  }
0x32: {  	s10 =	sld [smem:$0x3FAF];
	_ =	sdelay $0x3  }
0x33: {  	p0 =	seq.s32 s10, $0x1;
	s10 =	sld [smem:$0x3FB1];
	_ =	sdelay $0x3  }
0x34: {  	[smem:$0x3FB1] =	sst s10  }
0x35: {  	s10 =	sld [smem:$0x3FB0];
	_ =	sdelay $0x3  }
0x36: {  	p1 =	seq.s32 s10, $0x1;
	s10 =	sld [smem:$0x3FB1];
	_ =	sdelay $0x3  }
0x37: {  	[smem:$0x3FB1] =	sst s10  }
0x38: {  	s10 =	sld [smem:$0x3FB2]  }
0x39: {  	_ = 	snop;
	(pc) =	sbr.ind lr, $3  }
0x3a: {  	_ = 	snop  }
0x3b: {  	_ = 	snop  }
0x3c: {  	p2 =	seq.s32 s10, $0x1;
	s10 =	sld [smem:$0x3FB1]  }
0x3d: {  	_ =	shalt  }
0x3e: {  	_ =	shalt  }
0x3f: {  	_ =	shalt  }
0x40: {  	_ =	shalt  }
0x41: {  	_ =	shalt  }
0x42: {  	_ =	shalt  }
0x43: {  	_ =	shalt  }
0x44: {  	_ =	shalt  }
0x45: {  	_ =	shalt  }
0x46: {  	_ =	shalt  }
0x47: {  	_ =	shalt  }
0x48: {  	_ =	shalt  }
0x49: {  	_ =	shalt  }
0x4a: {  	_ =	shalt  }
0x4b: {  	_ =	shalt  }
0x4c: {  	_ =	shalt  }
0x4d: {  	_ =	shalt  }
0x4e: {  	_ =	shalt  }
0x4f: {  	_ =	shalt  }
0x50: {  	_ =	shalt  }
0x51: {  	_ =	shalt  }
0x52: {  	_ =	shalt  }
0x53: {  	_ =	shalt  }
0x54: {  	_ =	shalt  }
0x55: {  	_ =	shalt  }
0x56: {  	_ =	shalt  }
0x57: {  	_ =	shalt  }
0x58: {  	_ =	shalt  }
0x59: {  	_ =	shalt  }
0x5a: {  	_ =	shalt  }
0x5b: {  	_ =	shalt  }
0x5c: {  	_ =	shalt  }
0x5d: {  	_ =	shalt  }
0x5e: {  	_ =	shalt  }
0x5f: {  	_ =	shalt  }
0x60: {  	_ =	shalt  }
0x61: {  	_ =	shalt  }
0x62: {  	_ =	shalt  }
0x63: {  	_ =	shalt  }
0x64: {  	_ =	shalt  }
0x65: {  	_ =	shalt  }
0x66: {  	_ =	shalt  }
0x67: {  	_ =	shalt  }
0x68: {  	_ =	shalt  }
0x69: {  	_ =	shalt  }
0x6a: {  	_ =	shalt  }
0x6b: {  	_ =	shalt  }
0x6c: {  	_ =	shalt  }
0x6d: {  	_ =	shalt  }
0x6e: {  	_ =	shalt  }
0x6f: {  	_ =	shalt  }
0x70: {  	_ =	shalt  }
0x71: {  	_ =	shalt  }
0x72: {  	_ =	shalt  }
0x73: {  	_ =	shalt  }
0x74: {  	_ =	shalt  }
0x75: {  	_ =	shalt  }
0x76: {  	_ =	shalt  }
0x77: {  	_ =	shalt  }
0x78: {  	_ =	shalt  }
0x79: {  	_ =	shalt  }
0x7a: {  	_ =	shalt  }
0x7b: {  	_ =	shalt  }
0x7c: {  	_ =	shalt  }
0x7d: {  	_ =	shalt  }
0x7e: {  	_ =	shalt  }
0x7f: {  	_ =	shalt  }
0x80: {  	_ =	shalt  }
0x81: {  	_ =	shalt  }
0x82: {  	_ =	shalt  }
0x83: {  	_ =	shalt  }
0x84: {  	_ =	shalt  }
0x85: {  	_ =	shalt  }
0x86: {  	_ =	shalt  }
0x87: {  	_ =	shalt  }
.Lfunc_end0:
.L_simem_size_0:
called_computation_lowered:
.L_overlay_start_0:
0x88: {  	s2 =	sld [smem:$0x3FD9]  }
0x89: {  	s3 =	sld [smem:$0x3FFE];
	_ =	sdelay $0x1  }
0x8a: {  	s1 =	srdreg.scid  }
0x8b: {  	s0 =	sand.u32 $0x1, s1  }
0x8c: {  	s14 =	sshll.u32 s0, $0xA;
	s2 =	sadd.s32 s3, s2  }
0x8d: {  	s2 =	sadd.s32 s2, s14  }
0x8e: {  	[smem:$0x3FBD] =	sst s2  }
0x8f: {  	_ = 	snop  }
0x90: {  	s2 =	sld [smem:$0x3FD0];
	_ =	sdelay $0x2  }
0x91: {  	s15 =	simm.s32 $0xA;
	s4 =	simm.s32 $0x10  }
0x92: {  	[smem:s4], [sflag:s15] =	dma.local [hbm:s2], $0x1  }
0x93: {  	_ =	swait.eq [sflag:s15], $0x1  }
0x94: {  	[sflag:s15] =	ssyncset.done $0x0  }
0x95: {  	[sflag:s15] =	ssyncadd.s32 $0xFFFFFFFF  }
0x96: {  	s16 =	sld [smem:$0x11];
	(tm) =	ssettm $0x1  }
0x97: {  	s17 =	sld [smem:$0x3FFB];
	_ =	sdelay $0x3  }
0x98: {  	_ =	strace s17  }
0x99: {  	s3 =	sld [smem:$0x3FFC];
	_ =	sdelay $0x3  }
0x9a: {  	_ =	strace s3  }
0x9b: {  	s3 =	sld [smem:$0x3FFD];
	_ =	sdelay $0x3  }
0x9c: {  	_ =	strace s3  }
0x9d: {  	_ =	strace $0x8FFFFFFF  }
0x9e: {  	s18 =	sld [smem:$0x3FDB];
	_ =	sdelay $0x1  }
0x9f: {  	s19 =	simm.s32 $_scs_section_size  }
0xa0: {  	s5 =	simm.s32 $_size__tile_overlayer_lowered;
	s6 =	simm.s32 $_tile_overlayer_lowered  }
0xa1: {  	s22 =	simm.s32 $0x1BFF;
	s21 =	sshll.u32 s6, $0x1;
	s3 =	sadd.s32 s19, s18  }
0xa2: {  	s7 =	simm.s32 $0x0;
	s20 =	sshll.u32 s5, $0x1;
	s5 =	sadd.s32 s21, s3  }
0xa3: {  	[timem:s7], [sflag:s22] =	dma.local [hbm:s5], s20  }
0xa4: {  	_ =	swait.ge [sflag:s22], s20  }
0xa5: {  	s4 =	ssub.s32 $0x0, s20;
	[sflag:s22] =	ssyncset.done $0x0  }
0xa6: {  	[sflag:s22] =	ssyncadd.s32 s4;
	_ =	sdelay $0x1  }
0xa7: {  	s23 =	simm.s32 $0x1B8B  }
0xa8: {  	_ =	swait.ge [sflag:s23], $0x1  }
0xa9: {  	[sflag:s23] =	ssyncset.done $0x0  }
0xaa: {  	s25 =	simm.s32 $0x1B8E;
	s24 =	sld [smem:$0x3FFE];
	[sflag:s23] =	ssyncadd.s32 $0xFFFFFFFF  }
0xab: {  	s26 =	simm.s32 $execute0_lowered;
	[smem:$0x3FD2] =	sst s25  }
0xac: {  	s5 =	sshll.u32 s26, $0x1;
	_ =	strace $0x80000046;
	[dreg:$0x1] =	wrdreg $0xFFFFFFFF  }
0xad: {  	s28 =	simm.s32 $_size_execute0_lowered;
	s3 =	sadd.s32 s3, s5;
	[dreg:$0x0] =	wrdreg $0x0  }
0xae: {  	s5 =	sshll.u32 s28, $0x1;
	[dreg:$0x2] =	wrdreg s3  }
0xaf: {  	[dreg:$0x3] =	wrdreg s5  }
0xb0: {  	[dreg:$0x4] =	wrdreg $0xC0  }
0xb1: {  	_ =	task [dreg:s7], $0x5FFFF  }
0xb2: {  	[dreg:$0x1] =	wrdreg $0xFFFFFFFF  }
0xb3: {  	[dreg:$0x0] =	wrdreg $0x60  }
0xb4: {  	[dreg:$0x2] =	wrdreg s16  }
0xb5: {  	[dreg:$0x3] =	wrdreg s24  }
0xb6: {  	[dreg:$0x4] =	wrdreg $0x44000  }
0xb7: {  	[dreg:$0x5] =	wrdreg $0x9  }
0xb8: {  	_ =	task.clear_ibuf [dreg:s7], $0x6FFFF;
	_ =	strace $0x90000046  }
0xb9: {  	s29 =	simm.s32 $0x9;
	_ =	strace $0x80000048  }
0xba: {  	_ =	swait.ge [sflag:s29], $0x1  }
0xbb: {  	[sflag:s29] =	ssyncadd.s32 $0xFFFFFFFF  }
0xbc: {  	_ =	strace $0x90000048  }
0xbd: {  	_ =	sfence  }
0xbe: {  	s30 =	sld [smem:$0x0];
	_ =	sdelay $0x2  }
0xbf: {  	s31 =	sshll.u32 s1, $0xD;
	s1 =	sshrl.u32 s1, $0x2  }
0xc0: {  	s3 =	sand.u32 $0x4000, s31;
	s1 =	sadd.s32 s1, s30  }
0xc1: {  	s0 =	sor.u32 s3, s0;
	s1 =	sshll.u32 s1, $0x11  }
0xc2: {  	s0 =	sor.u32 s1, s0  }
0xc3: {  	s0 =	sadd.s32 $0x8F2B, s0  }
0xc4: {  	[sflag:s0] =	ssyncadd.remote.s32 $0x1  }
0xc5: {  	_ =	sfence.sel $0xFFFF  }
0xc6: {  	[dreg:$0x0] =	wrdreg $0xFFFFFFFF;
	(pc) =	sbr.abs _section_cstart, $3  }
0xc7: {  	[dreg:$0x1] =	wrdreg $0xFFFFFFFF  }
0xc8: {  	_ =	task.clear_ibuf [dreg:s7], $0x2FFFF;
	_ =	strace $0x9FFFFFFF  }
0xc9: {  	(tm) =	ssettm $0x7FFFFFFF  }
tec
execute0_lowered:
.L_overlay_start_1:
0x0: {  	(tag) =	ssettag $0x1  }
0x1: {  	s10 =	rddreg [dreg:$0x0]  }
0x2: {  	s6 =	rddreg [dreg:$0x1]  }
0x3: {  	s2 =	rddreg [dreg:$0x2]  }
0x4: {  	s0 =	rddreg [dreg:$0x3]  }
0x5: {  	s3 =	simm.s32 $0x0;
	s1 =	stileid.u32;
	s5 =	srdreg.scid  }
0x6: {  	s17 =	simm.s32 $0x100;
	s18 =	simm.s32 $0x180;
	s19 =	simm.s32 $0x200  }
0x7: {  	s20 =	simm.s32 $0x280;
	s21 =	simm.s32 $0x300;
	s4 =	smul.u32 $0x2700, s1  }
0x8: {  	s22 =	simm.s32 $0x380;
	[smem:$0x7FF] =	sst s3;
	s25 =	smul.u32 $0x4E000, s1  }
0x9: {  	s8 =	sand.u32 $0x1, s5;
	s9 =	sadd.s32 $0x2BA00, s6;
	s26 =	smul.u32 $0x13800, s1  }
0xa: {  	s15 =	sadd.s32 $0x124800, s2;
	s30 =	smul.u32 $0x2800, s1;
	p0 =	seq.s32 s1, $0xF  }
0xb: {  	s23 =	simm.s32 $0x0;
	_ =	strace $0x80000047;
	s13 =	smul.u32 $0x138800, s8  }
0xc: {  	s11 =	ssub.s32 $0x2, s8;
	s16 =	smul.u32 $0x28000, s8;
	s7 =	sadd.s32 s4, s6  }
0xd: {  	s4 =	sadd.s32 $0x2B200, s6;
	s12 =	sshrl.u32 s11, $0x1;
	s5 =	sshrl.u32 s25, $0x2  }
0xe: {  	s6 =	sadd.s32 $0x28900, s6;
	s11 =	ssub.s32 s11, s12;
	s14 =	sadd.s32 s5, s2  }
0xf: {  	s5 =	sadd.s32 $0x4000, s7;
	s28 =	sadd.s32 s26, s13;
	s29 =	sshrl.u32 s13, $0x3  }
0x10: {  	s12 =	sadd.s32 s30, s16;
	s16 =	simm.s32 $0x80;
	s7 =	sshrl.u32 s28, $0x3  }
0x11: {  	s8 =	sadd.s32 s9, s29;
	s31 =	sshrl.u32 s12, $0x3;
	s12 =	sshll.u32 @!p0 s1, $0x6  }
0x12: {  	s13 =	sshrl.u32 @!p0 s14, $0x3;
	s14 =	simm.s32 $0x400;
	s7 =	sadd.s32 s9, s7  }
0x13: {  	s8 =	sadd.s32 $0x24900, s8;
	s9 =	smax.u32 s11, $0x1;
	s10 =	sadd.s32 s31, s10  }
0x14: {  	s11 =	sshrl.u32 @p0 s15, $0x3;
	s12 =	sor.u32 @!p0 $0x1C01, s12;
	s15 =	simm.s32 $0x1  }
.LBB2_1:
0x15: {  	s24 =	simm.s32 @p0 $0x1FC1  }
0x16: {  	[spmem:s11], [sflag:s24] =	dma.local @p0 [hbm:s6], $0x2800  }
0x17: {  	s24 =	simm.s32 @p0 $0x1  }
0x18: {  	_ =	swait.ge @p0 [sflag:s24], $0x2800  }
0x19: {  	[sflag:s24] =	ssyncset.done @p0 $0x0  }
0x1a: {  	[sflag:s24] =	ssyncadd.s32 @p0 $0xFFFFD800;
	s24 =	simm.s32 @!p0 $0x1  }
0x1b: {  	[spmem:s13], [sflag:s12] =	dma.local @!p0 [hbm:s5], $0x2700  }
0x1c: {  	_ =	swait.ge @!p0 [sflag:s24], $0x2700  }
0x1d: {  	[sflag:s24] =	ssyncset.done @!p0 $0x0  }
0x1e: {  	[sflag:s24] =	ssyncadd.s32 @!p0 $0xFFFFD900  }
0x1f: {  	[tilespmem:s14], [sflag:$0x1] =	stream.linear.gather [hbm4b:s4+s3], $0x4000, $0x38;
	[tilespmem:$0x6B18] =	vst v63  }
0x20: {  	_ =	swait.ge [sflag:s15], $0x4000  }
0x21: {  	[sflag:s15] =	ssyncset.done $0x0  }
0x22: {  	[sflag:s15] =	ssyncadd.s32 $0xFFFFC000  }
0x23: {  	s31 =	sadd.s32 $0x0, s10;
	[bflag:$0x0] =	sbarrier.arrive $0xFFFF  }
0x24: {  	[tilespmem:s3], [sflag:$0x1] =	stream.linear.gather [hbm4b:s31+s3], $0x400, $0x38;
	[tilespmem:$0x6B18] =	vst v63  }
0x25: {  	_ =	swait.ge [sflag:s15], $0x400  }
0x26: {  	[sflag:s15] =	ssyncset.done $0x0  }
0x27: {  	[sflag:s15] =	ssyncadd.s32 $0xFFFFFC00  }
0x28: {  	[spmem:s2] =	stream.indirect.scatter.add.f32 [tilespmem:s14], [sflag:$0x1], $0x10, s3, s16, $0xb8;
	[tilespmem:$0x6B18] =	vst v63  }
0x29: {  	_ =	swait.ge [sflag:s15], $0x800  }
0x2a: {  	[sflag:s15] =	ssyncset.done $0x0  }
0x2b: {  	[sflag:s15] =	ssyncadd.s32 $0xFFFFF800  }
0x2c: {  	[spmem:s2] =	stream.indirect.scatter.add.f32 [tilespmem:s14], [sflag:$0x1], $0x10, s16, s16, $0xb8;
	[tilespmem:$0x6B18] =	vst v63  }
0x2d: {  	_ =	swait.ge [sflag:s15], $0x800  }
0x2e: {  	[sflag:s15] =	ssyncset.done $0x0  }
0x2f: {  	[sflag:s15] =	ssyncadd.s32 $0xFFFFF800  }
0x30: {  	[spmem:s2] =	stream.indirect.scatter.add.f32 [tilespmem:s14], [sflag:$0x1], $0x10, s17, s16, $0xb8;
	[tilespmem:$0x6B18] =	vst v63  }
0x31: {  	_ =	swait.ge [sflag:s15], $0x800  }
0x32: {  	[sflag:s15] =	ssyncset.done $0x0  }
0x33: {  	[sflag:s15] =	ssyncadd.s32 $0xFFFFF800  }
0x34: {  	[spmem:s2] =	stream.indirect.scatter.add.f32 [tilespmem:s14], [sflag:$0x1], $0x10, s18, s16, $0xb8;
	[tilespmem:$0x6B18] =	vst v63  }
0x35: {  	_ =	swait.ge [sflag:s15], $0x800  }
0x36: {  	[sflag:s15] =	ssyncset.done $0x0  }
0x37: {  	[sflag:s15] =	ssyncadd.s32 $0xFFFFF800  }
0x38: {  	[spmem:s2] =	stream.indirect.scatter.add.f32 [tilespmem:s14], [sflag:$0x1], $0x10, s19, s16, $0xb8;
	[tilespmem:$0x6B18] =	vst v63  }
0x39: {  	_ =	swait.ge [sflag:s15], $0x800  }
0x3a: {  	[sflag:s15] =	ssyncset.done $0x0  }
0x3b: {  	[sflag:s15] =	ssyncadd.s32 $0xFFFFF800  }
0x3c: {  	[spmem:s2] =	stream.indirect.scatter.add.f32 [tilespmem:s14], [sflag:$0x1], $0x10, s20, s16, $0xb8;
	[tilespmem:$0x6B18] =	vst v63  }
0x3d: {  	_ =	swait.ge [sflag:s15], $0x800  }
0x3e: {  	[sflag:s15] =	ssyncset.done $0x0  }
0x3f: {  	[sflag:s15] =	ssyncadd.s32 $0xFFFFF800  }
0x40: {  	[spmem:s2] =	stream.indirect.scatter.add.f32 [tilespmem:s14], [sflag:$0x1], $0x10, s21, s16, $0xb8;
	[tilespmem:$0x6B18] =	vst v63  }
0x41: {  	_ =	swait.ge [sflag:s15], $0x800  }
0x42: {  	[sflag:s15] =	ssyncset.done $0x0  }
0x43: {  	[sflag:s15] =	ssyncadd.s32 $0xFFFFF800  }
0x44: {  	[spmem:s2] =	stream.indirect.scatter.add.f32 [tilespmem:s14], [sflag:$0x1], $0x10, s22, s16, $0xb8;
	[tilespmem:$0x6B18] =	vst v63  }
0x45: {  	_ =	swait.ge [sflag:s15], $0x800  }
0x46: {  	s26 =	simm.s32 $0x100;
	s24 =	simm.s32 $0x80;
	[sflag:s15] =	ssyncset.done $0x0  }
.LBB2_2:
0x47: {  	s28 =	sadd.s32 s24, s10  }
0x48: {  	[sflag:s15] =	ssyncadd.s32 $0xFFFFF800;
	s24 =	smov.u32 s26;
	s25 =	sadd.s32 $0x80, s26  }
0x49: {  	[tilespmem:s3], [sflag:$0x1] =	stream.linear.gather [hbm4b:s28+s3], $0x400, $0x38;
	[tilespmem:$0x6B18] =	vst v63  }
0x4a: {  	p1 =	sne.s32 s26, $0x480;
	_ =	swait.ge [sflag:s15], $0x400  }
0x4b: {  	[sflag:s15] =	ssyncset.done $0x0  }
0x4c: {  	[sflag:s15] =	ssyncadd.s32 $0xFFFFFC00  }
0x4d: {  	[spmem:s2] =	stream.indirect.scatter.add.f32 [tilespmem:s14], [sflag:$0x1], $0x10, s3, s16, $0xb8;
	[tilespmem:$0x6B18] =	vst v63  }
0x4e: {  	_ =	swait.ge [sflag:s15], $0x800  }
0x4f: {  	[sflag:s15] =	ssyncset.done $0x0  }
0x50: {  	[sflag:s15] =	ssyncadd.s32 $0xFFFFF800  }
0x51: {  	[spmem:s2] =	stream.indirect.scatter.add.f32 [tilespmem:s14], [sflag:$0x1], $0x10, s16, s16, $0xb8;
	[tilespmem:$0x6B18] =	vst v63  }
0x52: {  	_ =	swait.ge [sflag:s15], $0x800  }
0x53: {  	[sflag:s15] =	ssyncset.done $0x0  }
0x54: {  	[sflag:s15] =	ssyncadd.s32 $0xFFFFF800  }
0x55: {  	[spmem:s2] =	stream.indirect.scatter.add.f32 [tilespmem:s14], [sflag:$0x1], $0x10, s17, s16, $0xb8;
	[tilespmem:$0x6B18] =	vst v63  }
0x56: {  	_ =	swait.ge [sflag:s15], $0x800  }
0x57: {  	[sflag:s15] =	ssyncset.done $0x0  }
0x58: {  	[sflag:s15] =	ssyncadd.s32 $0xFFFFF800  }
0x59: {  	[spmem:s2] =	stream.indirect.scatter.add.f32 [tilespmem:s14], [sflag:$0x1], $0x10, s18, s16, $0xb8;
	[tilespmem:$0x6B18] =	vst v63  }
0x5a: {  	_ =	swait.ge [sflag:s15], $0x800  }
0x5b: {  	[sflag:s15] =	ssyncset.done $0x0  }
0x5c: {  	[sflag:s15] =	ssyncadd.s32 $0xFFFFF800  }
0x5d: {  	[spmem:s2] =	stream.indirect.scatter.add.f32 [tilespmem:s14], [sflag:$0x1], $0x10, s19, s16, $0xb8;
	[tilespmem:$0x6B18] =	vst v63  }
0x5e: {  	_ =	swait.ge [sflag:s15], $0x800  }
0x5f: {  	[sflag:s15] =	ssyncset.done $0x0  }
0x60: {  	[sflag:s15] =	ssyncadd.s32 $0xFFFFF800  }
0x61: {  	[spmem:s2] =	stream.indirect.scatter.add.f32 [tilespmem:s14], [sflag:$0x1], $0x10, s20, s16, $0xb8;
	[tilespmem:$0x6B18] =	vst v63  }
0x62: {  	_ =	swait.ge [sflag:s15], $0x800  }
0x63: {  	[sflag:s15] =	ssyncset.done $0x0  }
0x64: {  	[sflag:s15] =	ssyncadd.s32 $0xFFFFF800  }
0x65: {  	[spmem:s2] =	stream.indirect.scatter.add.f32 [tilespmem:s14], [sflag:$0x1], $0x10, s21, s16, $0xb8;
	[tilespmem:$0x6B18] =	vst v63  }
0x66: {  	_ =	swait.ge [sflag:s15], $0x800  }
.Ltmp0:
0x67: {  	[sflag:s15] =	ssyncset.done $0x0;
	(pc) =	sbr.rel @p1 .LBB2_2-.Ltmp0, $4  }
0x68: {  	[sflag:s15] =	ssyncadd.s32 $0xFFFFF800  }
0x69: {  	[spmem:s2] =	stream.indirect.scatter.add.f32 [tilespmem:s14], [sflag:$0x1], $0x10, s22, s16, $0xb8;
	[tilespmem:$0x6B18] =	vst v63  }
0x6a: {  	_ =	swait.ge [sflag:s15], $0x800  }
0x6b: {  	s26 =	smov.u32 s25;
	[sflag:s15] =	ssyncset.done $0x0  }
0x6c: {  	s24 =	sadd.s32 s24, s10;
	[sflag:s15] =	ssyncadd.s32 $0xFFFFF800  }
0x6d: {  	[tilespmem:s3], [sflag:$0x1] =	stream.linear.gather [hbm4b:s24+s3], $0x400, $0x38;
	[tilespmem:$0x6B18] =	vst v63  }
0x6e: {  	_ =	swait.ge [sflag:s15], $0x400  }
0x6f: {  	[sflag:s15] =	ssyncset.done $0x0  }
0x70: {  	[sflag:s15] =	ssyncadd.s32 $0xFFFFFC00  }
0x71: {  	[spmem:s2] =	stream.indirect.scatter.add.f32 [tilespmem:s14], [sflag:$0x1], $0x10, s3, s16, $0xb8;
	[tilespmem:$0x6B18] =	vst v63  }
0x72: {  	_ =	swait.ge [sflag:s15], $0x800  }
0x73: {  	[sflag:s15] =	ssyncset.done $0x0  }
0x74: {  	[sflag:s15] =	ssyncadd.s32 $0xFFFFF800  }
0x75: {  	[spmem:s2] =	stream.indirect.scatter.add.f32 [tilespmem:s14], [sflag:$0x1], $0x10, s16, s16, $0xb8;
	[tilespmem:$0x6B18] =	vst v63  }
0x76: {  	_ =	swait.ge [sflag:s15], $0x800  }
0x77: {  	[sflag:s15] =	ssyncset.done $0x0  }
0x78: {  	[sflag:s15] =	ssyncadd.s32 $0xFFFFF800  }
0x79: {  	[spmem:s2] =	stream.indirect.scatter.add.f32 [tilespmem:s14], [sflag:$0x1], $0x10, s17, s16, $0xb8;
	[tilespmem:$0x6B18] =	vst v63  }
0x7a: {  	_ =	swait.ge [sflag:s15], $0x800  }
0x7b: {  	[sflag:s15] =	ssyncset.done $0x0  }
0x7c: {  	[sflag:s15] =	ssyncadd.s32 $0xFFFFF800  }
0x7d: {  	[spmem:s2] =	stream.indirect.scatter.add.f32 [tilespmem:s14], [sflag:$0x1], $0x10, s18, s16, $0xb8;
	[tilespmem:$0x6B18] =	vst v63  }
0x7e: {  	_ =	swait.ge [sflag:s15], $0x800  }
0x7f: {  	[sflag:s15] =	ssyncset.done $0x0  }
0x80: {  	[sflag:s15] =	ssyncadd.s32 $0xFFFFF800  }
0x81: {  	[spmem:s2] =	stream.indirect.scatter.add.f32 [tilespmem:s14], [sflag:$0x1], $0x10, s19, s16, $0xb8;
	[tilespmem:$0x6B18] =	vst v63  }
0x82: {  	_ =	swait.ge [sflag:s15], $0x800  }
0x83: {  	[sflag:s15] =	ssyncset.done $0x0  }
0x84: {  	[sflag:s15] =	ssyncadd.s32 $0xFFFFF800  }
0x85: {  	[spmem:s2] =	stream.indirect.scatter.add.f32 [tilespmem:s14], [sflag:$0x1], $0x10, s20, s16, $0xb8;
	[tilespmem:$0x6B18] =	vst v63  }
0x86: {  	_ =	swait.ge [sflag:s15], $0x800  }
0x87: {  	[sflag:s15] =	ssyncset.done $0x0  }
0x88: {  	[sflag:s15] =	ssyncadd.s32 $0xFFFFF800  }
0x89: {  	[spmem:s2] =	stream.indirect.scatter.add.f32 [tilespmem:s14], [sflag:$0x1], $0x10, s21, s16, $0xb8;
	[tilespmem:$0x6B18] =	vst v63  }
0x8a: {  	_ =	swait.ge [sflag:s15], $0x800  }
0x8b: {  	[sflag:s15] =	ssyncset.done $0x0  }
0x8c: {  	[sflag:s15] =	ssyncadd.s32 $0xFFFFF800  }
0x8d: {  	[spmem:s2] =	stream.indirect.scatter.add.f32 [tilespmem:s14], [sflag:$0x1], $0x10, s22, s16, $0xb8;
	[tilespmem:$0x6B18] =	vst v63  }
0x8e: {  	_ =	swait.ge [sflag:s15], $0x800  }
0x8f: {  	[sflag:s15] =	ssyncset.done $0x0  }
0x90: {  	[sflag:s15] =	ssyncadd.s32 $0xFFFFF800  }
0x91: {  	s24 =	simm.s32 @p0 $0x1FC1;
	[bflag:$0x0] =	sbarrier.arrive $0xFFFF  }
0x92: {  	[hbm:s8], [sflag:s24] =	dma.local @p0 [spmem:s11], $0x2800  }
0x93: {  	s24 =	simm.s32 @p0 $0x1  }
0x94: {  	s23 =	sadd.s32 $0x1, s23;
	_ =	swait.ge @p0 [sflag:s24], $0x2800  }
0x95: {  	p1 =	sne.s32 s23, s9;
	[sflag:s24] =	ssyncset.done @p0 $0x0  }
.Ltmp1:
0x96: {  	[sflag:s24] =	ssyncadd.s32 @p0 $0xFFFFD800;
	s24 =	simm.s32 @!p0 $0x1;
	(pc) =	sbr.rel @p1 .LBB2_1-.Ltmp1, $4  }
0x97: {  	[hbm:s7], [sflag:s12] =	dma.local @!p0 [spmem:s13], $0x2700  }
0x98: {  	_ =	swait.ge @!p0 [sflag:s24], $0x2700  }
0x99: {  	[sflag:s24] =	ssyncset.done @!p0 $0x0  }
0x9a: {  	[sflag:s24] =	ssyncadd.s32 @!p0 $0xFFFFD900  }
0x9b: {  	_ =	sfence.sel $0x180000  }
0x9c: {  	[bflag:$0x0] =	sbarrier.arrive $0xFFFF  }
0x9d: {  	p0 =	sne.s32 s1, $0x0;
	_ =	strace $0x90000047  }
0x9e: {  	s0 =	sadd.s32 @!p0 $0x100000, s0;
	[bflag:$0x2] =	sbarrier.arrive $0xFFFF  }
0x9f: {  	[sflag:s0] =	ssyncadd.tile.s32 @!p0 $0x1;
	_ =	shalt  }
.Lfunc_end2:
_tile_overlayer_lowered:
.L_overlay_start_2:
0xa0: {  	(tag) =	ssettag $0x2  }
0xa1: {  	s0 =	rddreg [dreg:$0x0];
	s2 =	stileid.u32  }
0xa2: {  	s1 =	rddreg [dreg:$0x1];
	p0 =	sne.s32 s2, $0x0  }
0xa3: {  	s3 =	rddreg [dreg:$0x2];
	[bflag:$0x3] =	sbarrier.arrive $0xFFFF;
	s2 =	simm.s32 @!p0 $0x1C01  }
0xa4: {  	[timem:s3], [sflag:s2] =	dma.local @!p0 [hbm:s0], s1  }
0xa5: {  	s0 =	simm.s32 @!p0 $0x1  }
0xa6: {  	_ =	swait.ge @!p0 [sflag:s0], s1  }
0xa7: {  	s1 =	ssub.s32 @!p0 $0x0, s1;
	[sflag:s0] =	ssyncset.done @!p0 $0x0  }
0xa8: {  	[sflag:s0] =	ssyncadd.s32 @!p0 s1  }
0xa9: {  	[bflag:$0x3] =	sbarrier.arrive $0xFFFF  }
0xaa: {  	_ =	shalt  }

// kernel: kernel.13.cloned.1.call-start
scs
__scs_entry_jumppad:
0x0: {  	(pc) =	sbr.rel $0x88, $3  }
0x1: {  	(tag) =	ssettag $0x0;
	lr =	simm.s32 $0x1  }
0x2: {  	[smem:$0x3F96] =	sst lr;
	_ =	strace $0xD0000000  }
0x3: {  	_ = 	snop  }
0x4: {  	_ = 	snop  }
0x5: {  	_ = 	snop  }
0x6: {  	_ = 	snop  }
0x7: {  	_ = 	snop  }
__scs_overlays_trampoline_lowered:
0x8: {  	[smem:$0x3FA5] =	sst s0  }
0x9: {  	[smem:$0x3FA6] =	sst s1  }
0xa: {  	[smem:$0x3FA7] =	sst s2  }
0xb: {  	[smem:$0x3FA8] =	sst s3  }
0xc: {  	[smem:$0x3FA9] =	sst s4  }
0xd: {  	[smem:$0x3FAA] =	sst s5  }
0xe: {  	[smem:$0x3FAB] =	sst s6  }
0xf: {  	[smem:$0x3FAC] =	sst s7  }
0x10: {  	[smem:$0x3FAD] =	sst s8  }
0x11: {  	[smem:$0x3FAE] =	sst s9;
	s0 =	simm.s32 @!p0 $0x0  }
0x12: {  	s1 =	sld [smem:$0x3F94];
	s0 =	simm.s32 @p0 $0x1  }
0x13: {  	[smem:$0x3FAF] =	sst s0;
	s0 =	simm.s32 @!p1 $0x0  }
0x14: {  	s2 =	sld [smem:$0x3F93];
	s0 =	simm.s32 @p1 $0x1  }
0x15: {  	[smem:$0x3FB0] =	sst s0;
	s0 =	simm.s32 @!p2 $0x0  }
0x16: {  	s3 =	sld [smem:$0x3FDB];
	s0 =	simm.s32 @p2 $0x1  }
0x17: {  	s4 =	simm.s32 $0x1BF5;
	[smem:$0x3FB2] =	sst s0  }
0x18: {  	s0 =	sld [smem:$0x3F95];
	_ =	swait.ge [sflag:s4], $0x0  }
0x19: {  	s7 =	sld [smem:$0x3F96]  }
0x1a: {  	s8 =	sadd.s32 $0xFFFFE003, lr  }
0x1b: {  	s9 =	sadd.s32 $0xFFFFFEF7, lr;
	s5 =	simm.s32 $0xFFFFFFFF;
	p2 =	slt.u32 s8, $0xFFFFF086  }
0x1c: {  	p1 =	slt.u32 s9, $0xF7A;
	s5 =	simm.s32 @!p2 $0x0  }
0x1d: {  	s5 =	simm.s32 @p1 $0x1;
	p0 =	seq.s32 s7, s2  }
0x1e: {  	s7 =	smul.u32 @!p0 $0xF7A, s2;
	p2 =	seq.s32 @!p0 s5, $0x0  }
0x1f: {  	s9 =	smul.u32 $0xF7A, s1;
	s8 =	simm.s32 @!p0 $0x1BF5;
	p2 =	por !p2, p0  }
0x20: {  	[sflag:s8] =	ssyncset.s32 @!p0 $0xFFFFF086;
	s6 =	sadd.s32 @!p0 s3, s7;
	s7 =	simm.s32 @!p0 $0x108  }
0x21: {  	s3 =	sadd.s32 s3, s9;
	s6 =	sadd.s32 @!p0 $0x88, s6;
	s7 =	simm.s32 @p2 $0x1082  }
0x22: {  	[simem:s7], [sflag:s8] =	dma.local @!p0 [hbm:s6], $0xF7A  }
0x23: {  	s9 =	sor.u32 $0xD0000000, s2;
	s6 =	simm.s32 $0x108;
	_ =	swait.ge @!p0 [sflag:s8], $0x0  }
0x24: {  	s3 =	sadd.s32 $0x88, s3;
	s6 =	simm.s32 @!p1 $0x1082;
	[sflag:s4] =	ssyncset.s32 $0xFFFFF086  }
0x25: {  	[simem:s6], [sflag:s4] =	dma.local [hbm:s3], $0xF7A  }
0x26: {  	[smem:$0x3F96] =	sst s1;
	(tag) =	ssettag s2;
	_ =	strace s9  }
0x27: {  	s1 =	sld [smem:$0x3FA6]  }
0x28: {  	s2 =	sld [smem:$0x3FA7]  }
0x29: {  	s4 =	sld [smem:$0x3FA9]  }
0x2a: {  	p0 =	seq.s32 s5, $0x0;
	s5 =	sld [smem:$0x3FAA]  }
0x2b: {  	s6 =	sld [smem:$0x3FAB]  }
0x2c: {  	s7 =	sld [smem:$0x3FAC]  }
0x2d: {  	s3 =	simm.s32 $0x108;
	s8 =	sld [smem:$0x3FAD]  }
0x2e: {  	s3 =	simm.s32 @!p0 $0x1082;
	s9 =	sld [smem:$0x3FAE]  }
0x2f: {  	lr =	sadd.s32 s0, s3;
	s0 =	sld [smem:$0x3FA5]  }
0x30: {  	s3 =	sld [smem:$0x3FA8]  }
0x31: {  	[smem:$0x3FB1] =	sst s10  }
0x32: {  	s10 =	sld [smem:$0x3FAF];
	_ =	sdelay $0x3  }
0x33: {  	p0 =	seq.s32 s10, $0x1;
	s10 =	sld [smem:$0x3FB1];
	_ =	sdelay $0x3  }
0x34: {  	[smem:$0x3FB1] =	sst s10  }
0x35: {  	s10 =	sld [smem:$0x3FB0];
	_ =	sdelay $0x3  }
0x36: {  	p1 =	seq.s32 s10, $0x1;
	s10 =	sld [smem:$0x3FB1];
	_ =	sdelay $0x3  }
0x37: {  	[smem:$0x3FB1] =	sst s10  }
0x38: {  	s10 =	sld [smem:$0x3FB2]  }
0x39: {  	_ = 	snop;
	(pc) =	sbr.ind lr, $3  }
0x3a: {  	_ = 	snop  }
0x3b: {  	_ = 	snop  }
0x3c: {  	p2 =	seq.s32 s10, $0x1;
	s10 =	sld [smem:$0x3FB1]  }
0x3d: {  	_ =	shalt  }
0x3e: {  	_ =	shalt  }
0x3f: {  	_ =	shalt  }
0x40: {  	_ =	shalt  }
0x41: {  	_ =	shalt  }
0x42: {  	_ =	shalt  }
0x43: {  	_ =	shalt  }
0x44: {  	_ =	shalt  }
0x45: {  	_ =	shalt  }
0x46: {  	_ =	shalt  }
0x47: {  	_ =	shalt  }
0x48: {  	_ =	shalt  }
0x49: {  	_ =	shalt  }
0x4a: {  	_ =	shalt  }
0x4b: {  	_ =	shalt  }
0x4c: {  	_ =	shalt  }
0x4d: {  	_ =	shalt  }
0x4e: {  	_ =	shalt  }
0x4f: {  	_ =	shalt  }
0x50: {  	_ =	shalt  }
0x51: {  	_ =	shalt  }
0x52: {  	_ =	shalt  }
0x53: {  	_ =	shalt  }
0x54: {  	_ =	shalt  }
0x55: {  	_ =	shalt  }
0x56: {  	_ =	shalt  }
0x57: {  	_ =	shalt  }
0x58: {  	_ =	shalt  }
0x59: {  	_ =	shalt  }
0x5a: {  	_ =	shalt  }
0x5b: {  	_ =	shalt  }
0x5c: {  	_ =	shalt  }
0x5d: {  	_ =	shalt  }
0x5e: {  	_ =	shalt  }
0x5f: {  	_ =	shalt  }
0x60: {  	_ =	shalt  }
0x61: {  	_ =	shalt  }
0x62: {  	_ =	shalt  }
0x63: {  	_ =	shalt  }
0x64: {  	_ =	shalt  }
0x65: {  	_ =	shalt  }
0x66: {  	_ =	shalt  }
0x67: {  	_ =	shalt  }
0x68: {  	_ =	shalt  }
0x69: {  	_ =	shalt  }
0x6a: {  	_ =	shalt  }
0x6b: {  	_ =	shalt  }
0x6c: {  	_ =	shalt  }
0x6d: {  	_ =	shalt  }
0x6e: {  	_ =	shalt  }
0x6f: {  	_ =	shalt  }
0x70: {  	_ =	shalt  }
0x71: {  	_ =	shalt  }
0x72: {  	_ =	shalt  }
0x73: {  	_ =	shalt  }
0x74: {  	_ =	shalt  }
0x75: {  	_ =	shalt  }
0x76: {  	_ =	shalt  }
0x77: {  	_ =	shalt  }
0x78: {  	_ =	shalt  }
0x79: {  	_ =	shalt  }
0x7a: {  	_ =	shalt  }
0x7b: {  	_ =	shalt  }
0x7c: {  	_ =	shalt  }
0x7d: {  	_ =	shalt  }
0x7e: {  	_ =	shalt  }
0x7f: {  	_ =	shalt  }
0x80: {  	_ =	shalt  }
0x81: {  	_ =	shalt  }
0x82: {  	_ =	shalt  }
0x83: {  	_ =	shalt  }
0x84: {  	_ =	shalt  }
0x85: {  	_ =	shalt  }
0x86: {  	_ =	shalt  }
0x87: {  	_ =	shalt  }
.Lfunc_end0:
.L_simem_size_0:
called_computation.1_lowered:
.L_overlay_start_0:
0x88: {  	s2 =	sld [smem:$0x3FD9]  }
0x89: {  	s3 =	sld [smem:$0x3FFE];
	_ =	sdelay $0x1  }
0x8a: {  	s1 =	srdreg.scid  }
0x8b: {  	s0 =	sand.u32 $0x1, s1  }
0x8c: {  	s14 =	sshll.u32 s0, $0xA;
	s2 =	sadd.s32 s3, s2  }
0x8d: {  	s2 =	sadd.s32 s2, s14  }
0x8e: {  	[smem:$0x3FBD] =	sst s2  }
0x8f: {  	_ = 	snop  }
0x90: {  	s2 =	sld [smem:$0x3FD0];
	_ =	sdelay $0x2  }
0x91: {  	s15 =	simm.s32 $0xA;
	s4 =	simm.s32 $0x10  }
0x92: {  	[smem:s4], [sflag:s15] =	dma.local [hbm:s2], $0x1  }
0x93: {  	_ =	swait.eq [sflag:s15], $0x1  }
0x94: {  	[sflag:s15] =	ssyncset.done $0x0  }
0x95: {  	[sflag:s15] =	ssyncadd.s32 $0xFFFFFFFF  }
0x96: {  	s16 =	sld [smem:$0x10];
	(tm) =	ssettm $0x1  }
0x97: {  	s17 =	sld [smem:$0x3FFB];
	_ =	sdelay $0x3  }
0x98: {  	_ =	strace s17  }
0x99: {  	s3 =	sld [smem:$0x3FFC];
	_ =	sdelay $0x3  }
0x9a: {  	_ =	strace s3  }
0x9b: {  	s3 =	sld [smem:$0x3FFD];
	_ =	sdelay $0x3  }
0x9c: {  	_ =	strace s3  }
0x9d: {  	_ =	strace $0x8FFFFFFF  }
0x9e: {  	s18 =	sld [smem:$0x3FDB];
	_ =	sdelay $0x1  }
0x9f: {  	s19 =	simm.s32 $_scs_section_size  }
0xa0: {  	s5 =	simm.s32 $_size__tile_overlayer_lowered;
	s6 =	simm.s32 $_tile_overlayer_lowered  }
0xa1: {  	s22 =	simm.s32 $0x1BFF;
	s21 =	sshll.u32 s6, $0x1;
	s3 =	sadd.s32 s19, s18  }
0xa2: {  	s7 =	simm.s32 $0x0;
	s20 =	sshll.u32 s5, $0x1;
	s5 =	sadd.s32 s21, s3  }
0xa3: {  	[timem:s7], [sflag:s22] =	dma.local [hbm:s5], s20  }
0xa4: {  	_ =	swait.ge [sflag:s22], s20  }
0xa5: {  	s4 =	ssub.s32 $0x0, s20;
	[sflag:s22] =	ssyncset.done $0x0  }
0xa6: {  	[sflag:s22] =	ssyncadd.s32 s4;
	_ =	sdelay $0x1  }
0xa7: {  	s23 =	simm.s32 $0x1B8B  }
0xa8: {  	_ =	swait.ge [sflag:s23], $0x1  }
0xa9: {  	[sflag:s23] =	ssyncset.done $0x0  }
0xaa: {  	s25 =	simm.s32 $0x1B8E;
	s24 =	sld [smem:$0x3FFE];
	[sflag:s23] =	ssyncadd.s32 $0xFFFFFFFF  }
0xab: {  	s26 =	simm.s32 $execute0_lowered;
	[smem:$0x3FD2] =	sst s25  }
0xac: {  	s5 =	sshll.u32 s26, $0x1;
	_ =	strace $0x80000049;
	[dreg:$0x1] =	wrdreg $0xFFFFFFFF  }
0xad: {  	s28 =	simm.s32 $_size_execute0_lowered;
	s3 =	sadd.s32 s3, s5;
	[dreg:$0x0] =	wrdreg $0x0  }
0xae: {  	s5 =	sshll.u32 s28, $0x1;
	[dreg:$0x2] =	wrdreg s3  }
0xaf: {  	[dreg:$0x3] =	wrdreg s5  }
0xb0: {  	[dreg:$0x4] =	wrdreg $0xC0  }
0xb1: {  	_ =	task [dreg:s7], $0x5FFFF  }
0xb2: {  	[dreg:$0x1] =	wrdreg $0xFFFFFFFF  }
0xb3: {  	[dreg:$0x0] =	wrdreg $0x60  }
0xb4: {  	[dreg:$0x2] =	wrdreg s24  }
0xb5: {  	[dreg:$0x3] =	wrdreg s16  }
0xb6: {  	[dreg:$0x4] =	wrdreg $0x29000  }
0xb7: {  	[dreg:$0x5] =	wrdreg $0x9  }
0xb8: {  	_ =	task.clear_ibuf [dreg:s7], $0x6FFFF;
	_ =	strace $0x90000049  }
0xb9: {  	s29 =	simm.s32 $0x9;
	_ =	strace $0x8000004B  }
0xba: {  	_ =	swait.ge [sflag:s29], $0x1  }
0xbb: {  	[sflag:s29] =	ssyncadd.s32 $0xFFFFFFFF  }
0xbc: {  	_ =	strace $0x9000004B  }
0xbd: {  	_ =	sfence  }
0xbe: {  	s30 =	sld [smem:$0x0];
	_ =	sdelay $0x2  }
0xbf: {  	s31 =	sshll.u32 s1, $0xD;
	s1 =	sshrl.u32 s1, $0x2  }
0xc0: {  	s3 =	sand.u32 $0x4000, s31;
	s1 =	sadd.s32 s1, s30  }
0xc1: {  	s0 =	sor.u32 s3, s0;
	s1 =	sshll.u32 s1, $0x11  }
0xc2: {  	s0 =	sor.u32 s1, s0  }
0xc3: {  	s0 =	sadd.s32 $0x8F2B, s0  }
0xc4: {  	[sflag:s0] =	ssyncadd.remote.s32 $0x1  }
0xc5: {  	_ =	sfence.sel $0xFFFF  }
0xc6: {  	[dreg:$0x0] =	wrdreg $0xFFFFFFFF;
	(pc) =	sbr.abs _section_cstart, $3  }
0xc7: {  	[dreg:$0x1] =	wrdreg $0xFFFFFFFF  }
0xc8: {  	_ =	task.clear_ibuf [dreg:s7], $0x2FFFF;
	_ =	strace $0x9FFFFFFF  }
0xc9: {  	(tm) =	ssettm $0x7FFFFFFF  }
tec
execute0_lowered:
.L_overlay_start_1:
0x0: {  	(tag) =	ssettag $0x1  }
0x1: {  	s6 =	rddreg [dreg:$0x0]  }
0x2: {  	s11 =	rddreg [dreg:$0x1];
	s2 =	srdreg.scid  }
0x3: {  	s1 =	rddreg [dreg:$0x2];
	s5 =	sand.u32 $0x1, s2  }
0x4: {  	s2 =	stileid.u32;
	s7 =	smul.u32 $0x28000, s5  }
0x5: {  	s0 =	rddreg [dreg:$0x3];
	s3 =	simm.s32 $0x0;
	s8 =	smul.u32 $0x2800, s2  }
0x6: {  	s18 =	simm.s32 $0x100;
	s19 =	simm.s32 $0x1;
	s9 =	smul.u32 $0x4E000, s2  }
0x7: {  	s20 =	simm.s32 $0x0;
	[smem:$0x7FF] =	sst s3;
	s25 =	smul.u32 $0x2700, s2  }
0x8: {  	s4 =	sadd.s32 $0x4000, s6;
	s15 =	sadd.s32 $0x2B200, s6;
	s10 =	smul.u32 $0x138800, s5  }
0x9: {  	_ =	strace $0x8000004A;
	s26 =	ssub.s32 $0x2, s5;
	s14 =	smul.u32 $0x13800, s2  }
0xa: {  	p0 =	seq.s32 s2, $0xF;
	s28 =	sshrl.u32 s26, $0x1;
	s7 =	sadd.s32 s8, s7  }
0xb: {  	s16 =	ssub.s32 s26, s28;
	s29 =	sshrl.u32 s9, $0x2;
	s5 =	sadd.s32 s4, s25  }
0xc: {  	s30 =	sadd.s32 s14, s10;
	s14 =	sadd.s32 $0x124800, s1;
	s31 =	sshrl.u32 s10, $0x3  }
0xd: {  	s12 =	sshrl.u32 s7, $0x3;
	s17 =	sadd.s32 s29, s1;
	s7 =	sshrl.u32 s30, $0x3  }
0xe: {  	s8 =	sadd.s32 s15, s31;
	s9 =	smax.u32 s16, $0x1;
	s16 =	simm.s32 $0x80  }
0xf: {  	s13 =	sadd.s32 s12, s6;
	s6 =	sadd.s32 $0x28900, s6;
	s7 =	sadd.s32 s15, s7  }
0x10: {  	s8 =	sadd.s32 $0x24900, s8;
	s11 =	sadd.s32 s12, s11;
	s12 =	sshrl.u32 @p0 s14, $0x3  }
0x11: {  	s14 =	sshrl.u32 @!p0 s17, $0x3;
	s10 =	sadd.s32 $0x79C00, s13;
	s13 =	sshll.u32 @!p0 s2, $0x6  }
0x12: {  	s15 =	simm.s32 $0x2;
	s17 =	simm.s32 $0x50;
	s13 =	sor.u32 @!p0 $0x1C02, s13  }
.LBB2_1:
0x13: {  	s21 =	simm.s32 @p0 $0x1FC2  }
0x14: {  	[spmem:s12], [sflag:s21] =	dma.local @p0 [hbm:s6], $0x2800  }
0x15: {  	s21 =	simm.s32 @p0 $0x2  }
0x16: {  	_ =	swait.ge @p0 [sflag:s21], $0x2800  }
0x17: {  	[sflag:s21] =	ssyncset.done @p0 $0x0  }
0x18: {  	[sflag:s21] =	ssyncadd.s32 @p0 $0xFFFFD800;
	s21 =	simm.s32 @!p0 $0x2  }
0x19: {  	[spmem:s14], [sflag:s13] =	dma.local @!p0 [hbm:s5], $0x2700  }
0x1a: {  	_ =	swait.ge @!p0 [sflag:s21], $0x2700  }
0x1b: {  	[sflag:s21] =	ssyncset.done @!p0 $0x0  }
0x1c: {  	[sflag:s21] =	ssyncadd.s32 @!p0 $0xFFFFD900  }
0x1d: {  	s30 =	sadd.s32 $0x0, s11;
	[bflag:$0x0] =	sbarrier.arrive $0xFFFF  }
0x1e: {  	[tilespmem:s3], [sflag:$0x2] =	stream.linear.gather [hbm4b:s30+s3], $0x50, $0x38;
	[tilespmem:$0x161C0] =	vst v63  }
0x1f: {  	_ =	swait.ge [sflag:s15], $0x50  }
0x20: {  	[sflag:s15] =	ssyncset.done $0x0  }
0x21: {  	s31 =	sadd.s32 $0x0, s10;
	[sflag:s15] =	ssyncadd.s32 $0xFFFFFFB0  }
0x22: {  	[tilespmem:s16], [sflag:$0x2] =	stream.linear.gather [hbm4b:s31+s3], $0x50, $0x38;
	[tilespmem:$0x161C0] =	vst v63  }
0x23: {  	_ =	swait.ge [sflag:s15], $0x50  }
0x24: {  	[sflag:s15] =	ssyncset.done $0x0  }
0x25: {  	[sflag:s15] =	ssyncadd.s32 $0xFFFFFFB0  }
0x26: {  	[tilespmem:s18], [sflag:$0x1] =	stream.indirect.gather [hbm4b:s4+s17], $0x80, s3, s17, $0xb8;
	[tilespmem:$0x161C0] =	vst v63  }
0x27: {  	_ =	swait.ge [sflag:s19], $0x2800  }
0x28: {  	[sflag:s19] =	ssyncset.done $0x0  }
0x29: {  	[sflag:s19] =	ssyncadd.s32 $0xFFFFD800  }
0x2a: {  	[spmem:s1] =	stream.indirect.scatter.add.f32 [tilespmem:s18], [sflag:$0x2], $0x80, s16, s17, $0xb8;
	[tilespmem:$0x161C0] =	vst v63  }
0x2b: {  	_ =	swait.ge [sflag:s15], $0x2800  }
0x2c: {  	s22 =	simm.s32 $0x14;
	s21 =	simm.s32 $0xA;
	[sflag:s15] =	ssyncset.done $0x0  }
.LBB2_2:
0x2d: {  	s23 =	sadd.s32 s21, s11  }
0x2e: {  	[sflag:s15] =	ssyncadd.s32 $0xFFFFD800;
	s24 =	smov.u32 s22;
	s25 =	sadd.s32 $0xA, s22  }
0x2f: {  	[tilespmem:s3], [sflag:$0x2] =	stream.linear.gather [hbm4b:s23+s3], $0x50, $0x38;
	[tilespmem:$0x161C0] =	vst v63  }
0x30: {  	p1 =	sne.s32 s22, $0x4D8;
	_ =	swait.ge [sflag:s15], $0x50  }
0x31: {  	[sflag:s15] =	ssyncset.done $0x0  }
0x32: {  	s22 =	sadd.s32 s21, s10;
	s21 =	smov.u32 s24;
	[sflag:s15] =	ssyncadd.s32 $0xFFFFFFB0  }
0x33: {  	[tilespmem:s16], [sflag:$0x2] =	stream.linear.gather [hbm4b:s22+s3], $0x50, $0x38;
	[tilespmem:$0x161C0] =	vst v63  }
0x34: {  	_ =	swait.ge [sflag:s15], $0x50  }
0x35: {  	[sflag:s15] =	ssyncset.done $0x0  }
0x36: {  	[sflag:s15] =	ssyncadd.s32 $0xFFFFFFB0  }
0x37: {  	[tilespmem:s18], [sflag:$0x1] =	stream.indirect.gather [hbm4b:s4+s17], $0x80, s3, s17, $0xb8;
	[tilespmem:$0x161C0] =	vst v63  }
0x38: {  	_ =	swait.ge [sflag:s19], $0x2800  }
.Ltmp0:
0x39: {  	[sflag:s19] =	ssyncset.done $0x0;
	(pc) =	sbr.rel @p1 .LBB2_2-.Ltmp0, $4  }
0x3a: {  	[sflag:s19] =	ssyncadd.s32 $0xFFFFD800  }
0x3b: {  	[spmem:s1] =	stream.indirect.scatter.add.f32 [tilespmem:s18], [sflag:$0x2], $0x80, s16, s17, $0xb8;
	[tilespmem:$0x161C0] =	vst v63  }
0x3c: {  	_ =	swait.ge [sflag:s15], $0x2800  }
0x3d: {  	s22 =	smov.u32 s25;
	[sflag:s15] =	ssyncset.done $0x0  }
0x3e: {  	s22 =	sadd.s32 s21, s11;
	[sflag:s15] =	ssyncadd.s32 $0xFFFFD800  }
0x3f: {  	[tilespmem:s3], [sflag:$0x2] =	stream.linear.gather [hbm4b:s22+s3], $0x50, $0x38;
	[tilespmem:$0x161C0] =	vst v63  }
0x40: {  	_ =	swait.ge [sflag:s15], $0x50  }
0x41: {  	[sflag:s15] =	ssyncset.done $0x0  }
0x42: {  	s31 =	sadd.s32 s21, s10;
	[sflag:s15] =	ssyncadd.s32 $0xFFFFFFB0  }
0x43: {  	[tilespmem:s16], [sflag:$0x2] =	stream.linear.gather [hbm4b:s31+s3], $0x50, $0x38;
	[tilespmem:$0x161C0] =	vst v63  }
0x44: {  	_ =	swait.ge [sflag:s15], $0x50  }
0x45: {  	[sflag:s15] =	ssyncset.done $0x0  }
0x46: {  	[sflag:s15] =	ssyncadd.s32 $0xFFFFFFB0  }
0x47: {  	[tilespmem:s18], [sflag:$0x1] =	stream.indirect.gather [hbm4b:s4+s17], $0x80, s3, s17, $0xb8;
	[tilespmem:$0x161C0] =	vst v63  }
0x48: {  	_ =	swait.ge [sflag:s19], $0x2800  }
0x49: {  	[sflag:s19] =	ssyncset.done $0x0  }
0x4a: {  	[sflag:s19] =	ssyncadd.s32 $0xFFFFD800  }
0x4b: {  	[spmem:s1] =	stream.indirect.scatter.add.f32 [tilespmem:s18], [sflag:$0x2], $0x80, s16, s17, $0xb8;
	[tilespmem:$0x161C0] =	vst v63  }
0x4c: {  	_ =	swait.ge [sflag:s15], $0x2800  }
0x4d: {  	[sflag:s15] =	ssyncset.done $0x0  }
0x4e: {  	[sflag:s15] =	ssyncadd.s32 $0xFFFFD800  }
0x4f: {  	s21 =	simm.s32 @p0 $0x1FC2;
	[bflag:$0x0] =	sbarrier.arrive $0xFFFF  }
0x50: {  	[hbm:s8], [sflag:s21] =	dma.local @p0 [spmem:s12], $0x2800  }
0x51: {  	s21 =	simm.s32 @p0 $0x2  }
0x52: {  	s20 =	sadd.s32 $0x1, s20;
	_ =	swait.ge @p0 [sflag:s21], $0x2800  }
0x53: {  	p1 =	sne.s32 s20, s9;
	[sflag:s21] =	ssyncset.done @p0 $0x0  }
.Ltmp1:
0x54: {  	[sflag:s21] =	ssyncadd.s32 @p0 $0xFFFFD800;
	s21 =	simm.s32 @!p0 $0x2;
	(pc) =	sbr.rel @p1 .LBB2_1-.Ltmp1, $4  }
0x55: {  	[hbm:s7], [sflag:s13] =	dma.local @!p0 [spmem:s14], $0x2700  }
0x56: {  	_ =	swait.ge @!p0 [sflag:s21], $0x2700  }
0x57: {  	[sflag:s21] =	ssyncset.done @!p0 $0x0  }
0x58: {  	[sflag:s21] =	ssyncadd.s32 @!p0 $0xFFFFD900  }
0x59: {  	_ =	sfence.sel $0x180000  }
0x5a: {  	[bflag:$0x0] =	sbarrier.arrive $0xFFFF  }
0x5b: {  	p0 =	sne.s32 s2, $0x0;
	_ =	strace $0x9000004A  }
0x5c: {  	s0 =	sadd.s32 @!p0 $0x100000, s0;
	[bflag:$0x2] =	sbarrier.arrive $0xFFFF  }
0x5d: {  	[sflag:s0] =	ssyncadd.tile.s32 @!p0 $0x1;
	_ =	shalt  }
.Lfunc_end2:
_tile_overlayer_lowered:
.L_overlay_start_2:
0x5e: {  	(tag) =	ssettag $0x2  }
0x5f: {  	s0 =	rddreg [dreg:$0x0];
	s2 =	stileid.u32  }
0x60: {  	s1 =	rddreg [dreg:$0x1];
	p0 =	sne.s32 s2, $0x0  }
0x61: {  	s3 =	rddreg [dreg:$0x2];
	[bflag:$0x3] =	sbarrier.arrive $0xFFFF;
	s2 =	simm.s32 @!p0 $0x1C02  }
0x62: {  	[timem:s3], [sflag:s2] =	dma.local @!p0 [hbm:s0], s1  }
0x63: {  	s0 =	simm.s32 @!p0 $0x2  }
0x64: {  	_ =	swait.ge @!p0 [sflag:s0], s1  }
0x65: {  	s1 =	ssub.s32 @!p0 $0x0, s1;
	[sflag:s0] =	ssyncset.done @!p0 $0x0  }
0x66: {  	[sflag:s0] =	ssyncadd.s32 @!p0 s1  }
0x67: {  	[bflag:$0x3] =	sbarrier.arrive $0xFFFF  }
0x68: {  	_ =	shalt  }

// kernel: kernel.16.cloned.1.call-start
scs
__scs_entry_jumppad:
0x0: {  	(pc) =	sbr.rel $0x88, $3  }
0x1: {  	(tag) =	ssettag $0x0;
	lr =	simm.s32 $0x1  }
0x2: {  	[smem:$0x3F96] =	sst lr;
	_ =	strace $0xD0000000  }
0x3: {  	_ = 	snop  }
0x4: {  	_ = 	snop  }
0x5: {  	_ = 	snop  }
0x6: {  	_ = 	snop  }
0x7: {  	_ = 	snop  }
__scs_overlays_trampoline_lowered:
0x8: {  	[smem:$0x3FA5] =	sst s0  }
0x9: {  	[smem:$0x3FA6] =	sst s1  }
0xa: {  	[smem:$0x3FA7] =	sst s2  }
0xb: {  	[smem:$0x3FA8] =	sst s3  }
0xc: {  	[smem:$0x3FA9] =	sst s4  }
0xd: {  	[smem:$0x3FAA] =	sst s5  }
0xe: {  	[smem:$0x3FAB] =	sst s6  }
0xf: {  	[smem:$0x3FAC] =	sst s7  }
0x10: {  	[smem:$0x3FAD] =	sst s8  }
0x11: {  	[smem:$0x3FAE] =	sst s9;
	s0 =	simm.s32 @!p0 $0x0  }
0x12: {  	s1 =	sld [smem:$0x3F94];
	s0 =	simm.s32 @p0 $0x1  }
0x13: {  	[smem:$0x3FAF] =	sst s0;
	s0 =	simm.s32 @!p1 $0x0  }
0x14: {  	s2 =	sld [smem:$0x3F93];
	s0 =	simm.s32 @p1 $0x1  }
0x15: {  	[smem:$0x3FB0] =	sst s0;
	s0 =	simm.s32 @!p2 $0x0  }
0x16: {  	s3 =	sld [smem:$0x3FDB];
	s0 =	simm.s32 @p2 $0x1  }
0x17: {  	s4 =	simm.s32 $0x1BF5;
	[smem:$0x3FB2] =	sst s0  }
0x18: {  	s0 =	sld [smem:$0x3F95];
	_ =	swait.ge [sflag:s4], $0x0  }
0x19: {  	s7 =	sld [smem:$0x3F96]  }
0x1a: {  	s8 =	sadd.s32 $0xFFFFE003, lr  }
0x1b: {  	s9 =	sadd.s32 $0xFFFFFEF7, lr;
	s5 =	simm.s32 $0xFFFFFFFF;
	p2 =	slt.u32 s8, $0xFFFFF086  }
0x1c: {  	p1 =	slt.u32 s9, $0xF7A;
	s5 =	simm.s32 @!p2 $0x0  }
0x1d: {  	s5 =	simm.s32 @p1 $0x1;
	p0 =	seq.s32 s7, s2  }
0x1e: {  	s7 =	smul.u32 @!p0 $0xF7A, s2;
	p2 =	seq.s32 @!p0 s5, $0x0  }
0x1f: {  	s9 =	smul.u32 $0xF7A, s1;
	s8 =	simm.s32 @!p0 $0x1BF5;
	p2 =	por !p2, p0  }
0x20: {  	[sflag:s8] =	ssyncset.s32 @!p0 $0xFFFFF086;
	s6 =	sadd.s32 @!p0 s3, s7;
	s7 =	simm.s32 @!p0 $0x108  }
0x21: {  	s3 =	sadd.s32 s3, s9;
	s6 =	sadd.s32 @!p0 $0x88, s6;
	s7 =	simm.s32 @p2 $0x1082  }
0x22: {  	[simem:s7], [sflag:s8] =	dma.local @!p0 [hbm:s6], $0xF7A  }
0x23: {  	s9 =	sor.u32 $0xD0000000, s2;
	s6 =	simm.s32 $0x108;
	_ =	swait.ge @!p0 [sflag:s8], $0x0  }
0x24: {  	s3 =	sadd.s32 $0x88, s3;
	s6 =	simm.s32 @!p1 $0x1082;
	[sflag:s4] =	ssyncset.s32 $0xFFFFF086  }
0x25: {  	[simem:s6], [sflag:s4] =	dma.local [hbm:s3], $0xF7A  }
0x26: {  	[smem:$0x3F96] =	sst s1;
	(tag) =	ssettag s2;
	_ =	strace s9  }
0x27: {  	s1 =	sld [smem:$0x3FA6]  }
0x28: {  	s2 =	sld [smem:$0x3FA7]  }
0x29: {  	s4 =	sld [smem:$0x3FA9]  }
0x2a: {  	p0 =	seq.s32 s5, $0x0;
	s5 =	sld [smem:$0x3FAA]  }
0x2b: {  	s6 =	sld [smem:$0x3FAB]  }
0x2c: {  	s7 =	sld [smem:$0x3FAC]  }
0x2d: {  	s3 =	simm.s32 $0x108;
	s8 =	sld [smem:$0x3FAD]  }
0x2e: {  	s3 =	simm.s32 @!p0 $0x1082;
	s9 =	sld [smem:$0x3FAE]  }
0x2f: {  	lr =	sadd.s32 s0, s3;
	s0 =	sld [smem:$0x3FA5]  }
0x30: {  	s3 =	sld [smem:$0x3FA8]  }
0x31: {  	[smem:$0x3FB1] =	sst s10  }
0x32: {  	s10 =	sld [smem:$0x3FAF];
	_ =	sdelay $0x3  }
0x33: {  	p0 =	seq.s32 s10, $0x1;
	s10 =	sld [smem:$0x3FB1];
	_ =	sdelay $0x3  }
0x34: {  	[smem:$0x3FB1] =	sst s10  }
0x35: {  	s10 =	sld [smem:$0x3FB0];
	_ =	sdelay $0x3  }
0x36: {  	p1 =	seq.s32 s10, $0x1;
	s10 =	sld [smem:$0x3FB1];
	_ =	sdelay $0x3  }
0x37: {  	[smem:$0x3FB1] =	sst s10  }
0x38: {  	s10 =	sld [smem:$0x3FB2]  }
0x39: {  	_ = 	snop;
	(pc) =	sbr.ind lr, $3  }
0x3a: {  	_ = 	snop  }
0x3b: {  	_ = 	snop  }
0x3c: {  	p2 =	seq.s32 s10, $0x1;
	s10 =	sld [smem:$0x3FB1]  }
0x3d: {  	_ =	shalt  }
0x3e: {  	_ =	shalt  }
0x3f: {  	_ =	shalt  }
0x40: {  	_ =	shalt  }
0x41: {  	_ =	shalt  }
0x42: {  	_ =	shalt  }
0x43: {  	_ =	shalt  }
0x44: {  	_ =	shalt  }
0x45: {  	_ =	shalt  }
0x46: {  	_ =	shalt  }
0x47: {  	_ =	shalt  }
0x48: {  	_ =	shalt  }
0x49: {  	_ =	shalt  }
0x4a: {  	_ =	shalt  }
0x4b: {  	_ =	shalt  }
0x4c: {  	_ =	shalt  }
0x4d: {  	_ =	shalt  }
0x4e: {  	_ =	shalt  }
0x4f: {  	_ =	shalt  }
0x50: {  	_ =	shalt  }
0x51: {  	_ =	shalt  }
0x52: {  	_ =	shalt  }
0x53: {  	_ =	shalt  }
0x54: {  	_ =	shalt  }
0x55: {  	_ =	shalt  }
0x56: {  	_ =	shalt  }
0x57: {  	_ =	shalt  }
0x58: {  	_ =	shalt  }
0x59: {  	_ =	shalt  }
0x5a: {  	_ =	shalt  }
0x5b: {  	_ =	shalt  }
0x5c: {  	_ =	shalt  }
0x5d: {  	_ =	shalt  }
0x5e: {  	_ =	shalt  }
0x5f: {  	_ =	shalt  }
0x60: {  	_ =	shalt  }
0x61: {  	_ =	shalt  }
0x62: {  	_ =	shalt  }
0x63: {  	_ =	shalt  }
0x64: {  	_ =	shalt  }
0x65: {  	_ =	shalt  }
0x66: {  	_ =	shalt  }
0x67: {  	_ =	shalt  }
0x68: {  	_ =	shalt  }
0x69: {  	_ =	shalt  }
0x6a: {  	_ =	shalt  }
0x6b: {  	_ =	shalt  }
0x6c: {  	_ =	shalt  }
0x6d: {  	_ =	shalt  }
0x6e: {  	_ =	shalt  }
0x6f: {  	_ =	shalt  }
0x70: {  	_ =	shalt  }
0x71: {  	_ =	shalt  }
0x72: {  	_ =	shalt  }
0x73: {  	_ =	shalt  }
0x74: {  	_ =	shalt  }
0x75: {  	_ =	shalt  }
0x76: {  	_ =	shalt  }
0x77: {  	_ =	shalt  }
0x78: {  	_ =	shalt  }
0x79: {  	_ =	shalt  }
0x7a: {  	_ =	shalt  }
0x7b: {  	_ =	shalt  }
0x7c: {  	_ =	shalt  }
0x7d: {  	_ =	shalt  }
0x7e: {  	_ =	shalt  }
0x7f: {  	_ =	shalt  }
0x80: {  	_ =	shalt  }
0x81: {  	_ =	shalt  }
0x82: {  	_ =	shalt  }
0x83: {  	_ =	shalt  }
0x84: {  	_ =	shalt  }
0x85: {  	_ =	shalt  }
0x86: {  	_ =	shalt  }
0x87: {  	_ =	shalt  }
.Lfunc_end0:
.L_simem_size_0:
called_computation.2_lowered:
.L_overlay_start_0:
0x88: {  	s2 =	sld [smem:$0x3FD9]  }
0x89: {  	s3 =	sld [smem:$0x3FFE];
	_ =	sdelay $0x1  }
0x8a: {  	s1 =	srdreg.scid  }
0x8b: {  	s0 =	sand.u32 $0x1, s1  }
0x8c: {  	s14 =	sshll.u32 s0, $0xA;
	s2 =	sadd.s32 s3, s2  }
0x8d: {  	s2 =	sadd.s32 s2, s14  }
0x8e: {  	[smem:$0x3FBD] =	sst s2  }
0x8f: {  	_ = 	snop  }
0x90: {  	s2 =	sld [smem:$0x3FD0];
	_ =	sdelay $0x2  }
0x91: {  	s15 =	simm.s32 $0xA;
	s4 =	simm.s32 $0x10  }
0x92: {  	[smem:s4], [sflag:s15] =	dma.local [hbm:s2], $0x1  }
0x93: {  	_ =	swait.eq [sflag:s15], $0x1  }
0x94: {  	[sflag:s15] =	ssyncset.done $0x0  }
0x95: {  	[sflag:s15] =	ssyncadd.s32 $0xFFFFFFFF  }
0x96: {  	s16 =	sld [smem:$0x10];
	(tm) =	ssettm $0x1  }
0x97: {  	s17 =	sld [smem:$0x3FFB];
	_ =	sdelay $0x3  }
0x98: {  	_ =	strace s17  }
0x99: {  	s3 =	sld [smem:$0x3FFC];
	_ =	sdelay $0x3  }
0x9a: {  	_ =	strace s3  }
0x9b: {  	s3 =	sld [smem:$0x3FFD];
	_ =	sdelay $0x3  }
0x9c: {  	_ =	strace s3  }
0x9d: {  	_ =	strace $0x8FFFFFFF  }
0x9e: {  	s18 =	sld [smem:$0x3FDB];
	_ =	sdelay $0x1  }
0x9f: {  	s19 =	simm.s32 $_scs_section_size  }
0xa0: {  	s5 =	simm.s32 $_size__tile_overlayer_lowered;
	s6 =	simm.s32 $_tile_overlayer_lowered  }
0xa1: {  	s22 =	simm.s32 $0x1BFF;
	s21 =	sshll.u32 s6, $0x1;
	s3 =	sadd.s32 s19, s18  }
0xa2: {  	s7 =	simm.s32 $0x0;
	s20 =	sshll.u32 s5, $0x1;
	s5 =	sadd.s32 s21, s3  }
0xa3: {  	[timem:s7], [sflag:s22] =	dma.local [hbm:s5], s20  }
0xa4: {  	_ =	swait.ge [sflag:s22], s20  }
0xa5: {  	s4 =	ssub.s32 $0x0, s20;
	[sflag:s22] =	ssyncset.done $0x0  }
0xa6: {  	[sflag:s22] =	ssyncadd.s32 s4;
	_ =	sdelay $0x1  }
0xa7: {  	s23 =	simm.s32 $0x1B8B  }
0xa8: {  	_ =	swait.ge [sflag:s23], $0x1  }
0xa9: {  	[sflag:s23] =	ssyncset.done $0x0  }
0xaa: {  	s25 =	simm.s32 $0x1B8E;
	s24 =	sld [smem:$0x3FFE];
	[sflag:s23] =	ssyncadd.s32 $0xFFFFFFFF  }
0xab: {  	s26 =	simm.s32 $execute0_lowered;
	[smem:$0x3FD2] =	sst s25  }
0xac: {  	s5 =	sshll.u32 s26, $0x1;
	_ =	strace $0x8000004C;
	[dreg:$0x1] =	wrdreg $0xFFFFFFFF  }
0xad: {  	s28 =	simm.s32 $_size_execute0_lowered;
	s3 =	sadd.s32 s3, s5;
	[dreg:$0x0] =	wrdreg $0x0  }
0xae: {  	s5 =	sshll.u32 s28, $0x1;
	[dreg:$0x2] =	wrdreg s3  }
0xaf: {  	[dreg:$0x3] =	wrdreg s5  }
0xb0: {  	[dreg:$0x4] =	wrdreg $0xC0  }
0xb1: {  	_ =	task [dreg:s7], $0x5FFFF  }
0xb2: {  	[dreg:$0x1] =	wrdreg $0xFFFFFFFF  }
0xb3: {  	[dreg:$0x0] =	wrdreg $0x60  }
0xb4: {  	[dreg:$0x2] =	wrdreg s24  }
0xb5: {  	[dreg:$0x3] =	wrdreg s16  }
0xb6: {  	[dreg:$0x4] =	wrdreg $0x29000  }
0xb7: {  	[dreg:$0x5] =	wrdreg $0x9  }
0xb8: {  	_ =	task.clear_ibuf [dreg:s7], $0x6FFFF;
	_ =	strace $0x9000004C  }
0xb9: {  	s29 =	simm.s32 $0x9;
	_ =	strace $0x8000004E  }
0xba: {  	_ =	swait.ge [sflag:s29], $0x1  }
0xbb: {  	[sflag:s29] =	ssyncadd.s32 $0xFFFFFFFF  }
0xbc: {  	_ =	strace $0x9000004E  }
0xbd: {  	_ =	sfence  }
0xbe: {  	s30 =	sld [smem:$0x0];
	_ =	sdelay $0x2  }
0xbf: {  	s31 =	sshll.u32 s1, $0xD;
	s1 =	sshrl.u32 s1, $0x2  }
0xc0: {  	s3 =	sand.u32 $0x4000, s31;
	s1 =	sadd.s32 s1, s30  }
0xc1: {  	s0 =	sor.u32 s3, s0;
	s1 =	sshll.u32 s1, $0x11  }
0xc2: {  	s0 =	sor.u32 s1, s0  }
0xc3: {  	s0 =	sadd.s32 $0x8F2B, s0  }
0xc4: {  	[sflag:s0] =	ssyncadd.remote.s32 $0x1  }
0xc5: {  	_ =	sfence.sel $0xFFFF  }
0xc6: {  	[dreg:$0x0] =	wrdreg $0xFFFFFFFF;
	(pc) =	sbr.abs _section_cstart, $3  }
0xc7: {  	[dreg:$0x1] =	wrdreg $0xFFFFFFFF  }
0xc8: {  	_ =	task.clear_ibuf [dreg:s7], $0x2FFFF;
	_ =	strace $0x9FFFFFFF  }
0xc9: {  	(tm) =	ssettm $0x7FFFFFFF  }
tec
execute0_lowered:
.L_overlay_start_1:
0x0: {  	(tag) =	ssettag $0x1  }
0x1: {  	s6 =	rddreg [dreg:$0x0]  }
0x2: {  	s11 =	rddreg [dreg:$0x1];
	s2 =	srdreg.scid  }
0x3: {  	s1 =	rddreg [dreg:$0x2];
	s5 =	sand.u32 $0x1, s2  }
0x4: {  	s2 =	stileid.u32;
	s7 =	smul.u32 $0x28000, s5  }
0x5: {  	s0 =	rddreg [dreg:$0x3];
	s3 =	simm.s32 $0x0;
	s8 =	smul.u32 $0x2800, s2  }
0x6: {  	s18 =	simm.s32 $0x100;
	s19 =	simm.s32 $0x1;
	s9 =	smul.u32 $0x4E000, s2  }
0x7: {  	s20 =	simm.s32 $0x0;
	[smem:$0x7FF] =	sst s3;
	s25 =	smul.u32 $0x2700, s2  }
0x8: {  	s4 =	sadd.s32 $0x4000, s6;
	s15 =	sadd.s32 $0x2B200, s6;
	s10 =	smul.u32 $0x138800, s5  }
0x9: {  	_ =	strace $0x8000004D;
	s26 =	ssub.s32 $0x2, s5;
	s14 =	smul.u32 $0x13800, s2  }
0xa: {  	p0 =	seq.s32 s2, $0xF;
	s28 =	sshrl.u32 s26, $0x1;
	s7 =	sadd.s32 s8, s7  }
0xb: {  	s16 =	ssub.s32 s26, s28;
	s29 =	sshrl.u32 s9, $0x2;
	s5 =	sadd.s32 s4, s25  }
0xc: {  	s30 =	sadd.s32 s14, s10;
	s14 =	sadd.s32 $0x124800, s1;
	s31 =	sshrl.u32 s10, $0x3  }
0xd: {  	s12 =	sshrl.u32 s7, $0x3;
	s17 =	sadd.s32 s29, s1;
	s7 =	sshrl.u32 s30, $0x3  }
0xe: {  	s8 =	sadd.s32 s15, s31;
	s9 =	smax.u32 s16, $0x1;
	s16 =	simm.s32 $0x80  }
0xf: {  	s13 =	sadd.s32 s12, s6;
	s6 =	sadd.s32 $0x28900, s6;
	s7 =	sadd.s32 s15, s7  }
0x10: {  	s8 =	sadd.s32 $0x24900, s8;
	s11 =	sadd.s32 s12, s11;
	s12 =	sshrl.u32 @p0 s14, $0x3  }
0x11: {  	s14 =	sshrl.u32 @!p0 s17, $0x3;
	s10 =	sadd.s32 $0x79C00, s13;
	s13 =	sshll.u32 @!p0 s2, $0x6  }
0x12: {  	s15 =	simm.s32 $0x2;
	s17 =	simm.s32 $0x50;
	s13 =	sor.u32 @!p0 $0x1C02, s13  }
.LBB2_1:
0x13: {  	s21 =	simm.s32 @p0 $0x1FC2  }
0x14: {  	[spmem:s12], [sflag:s21] =	dma.local @p0 [hbm:s6], $0x2800  }
0x15: {  	s21 =	simm.s32 @p0 $0x2  }
0x16: {  	_ =	swait.ge @p0 [sflag:s21], $0x2800  }
0x17: {  	[sflag:s21] =	ssyncset.done @p0 $0x0  }
0x18: {  	[sflag:s21] =	ssyncadd.s32 @p0 $0xFFFFD800;
	s21 =	simm.s32 @!p0 $0x2  }
0x19: {  	[spmem:s14], [sflag:s13] =	dma.local @!p0 [hbm:s5], $0x2700  }
0x1a: {  	_ =	swait.ge @!p0 [sflag:s21], $0x2700  }
0x1b: {  	[sflag:s21] =	ssyncset.done @!p0 $0x0  }
0x1c: {  	[sflag:s21] =	ssyncadd.s32 @!p0 $0xFFFFD900  }
0x1d: {  	s30 =	sadd.s32 $0x0, s11;
	[bflag:$0x0] =	sbarrier.arrive $0xFFFF  }
0x1e: {  	[tilespmem:s3], [sflag:$0x2] =	stream.linear.gather [hbm4b:s30+s3], $0x50, $0x38;
	[tilespmem:$0x161C0] =	vst v63  }
0x1f: {  	_ =	swait.ge [sflag:s15], $0x50  }
0x20: {  	[sflag:s15] =	ssyncset.done $0x0  }
0x21: {  	s31 =	sadd.s32 $0x0, s10;
	[sflag:s15] =	ssyncadd.s32 $0xFFFFFFB0  }
0x22: {  	[tilespmem:s16], [sflag:$0x2] =	stream.linear.gather [hbm4b:s31+s3], $0x50, $0x38;
	[tilespmem:$0x161C0] =	vst v63  }
0x23: {  	_ =	swait.ge [sflag:s15], $0x50  }
0x24: {  	[sflag:s15] =	ssyncset.done $0x0  }
0x25: {  	[sflag:s15] =	ssyncadd.s32 $0xFFFFFFB0  }
0x26: {  	[tilespmem:s18], [sflag:$0x1] =	stream.indirect.gather [hbm4b:s4+s17], $0x80, s3, s17, $0xb8;
	[tilespmem:$0x161C0] =	vst v63  }
0x27: {  	_ =	swait.ge [sflag:s19], $0x2800  }
0x28: {  	[sflag:s19] =	ssyncset.done $0x0  }
0x29: {  	[sflag:s19] =	ssyncadd.s32 $0xFFFFD800  }
0x2a: {  	[spmem:s1] =	stream.indirect.scatter.add.f32 [tilespmem:s18], [sflag:$0x2], $0x80, s16, s17, $0xb8;
	[tilespmem:$0x161C0] =	vst v63  }
0x2b: {  	_ =	swait.ge [sflag:s15], $0x2800  }
0x2c: {  	s22 =	simm.s32 $0x14;
	s21 =	simm.s32 $0xA;
	[sflag:s15] =	ssyncset.done $0x0  }
.LBB2_2:
0x2d: {  	s23 =	sadd.s32 s21, s11  }
0x2e: {  	[sflag:s15] =	ssyncadd.s32 $0xFFFFD800;
	s24 =	smov.u32 s22;
	s25 =	sadd.s32 $0xA, s22  }
0x2f: {  	[tilespmem:s3], [sflag:$0x2] =	stream.linear.gather [hbm4b:s23+s3], $0x50, $0x38;
	[tilespmem:$0x161C0] =	vst v63  }
0x30: {  	p1 =	sne.s32 s22, $0x4D8;
	_ =	swait.ge [sflag:s15], $0x50  }
0x31: {  	[sflag:s15] =	ssyncset.done $0x0  }
0x32: {  	s22 =	sadd.s32 s21, s10;
	s21 =	smov.u32 s24;
	[sflag:s15] =	ssyncadd.s32 $0xFFFFFFB0  }
0x33: {  	[tilespmem:s16], [sflag:$0x2] =	stream.linear.gather [hbm4b:s22+s3], $0x50, $0x38;
	[tilespmem:$0x161C0] =	vst v63  }
0x34: {  	_ =	swait.ge [sflag:s15], $0x50  }
0x35: {  	[sflag:s15] =	ssyncset.done $0x0  }
0x36: {  	[sflag:s15] =	ssyncadd.s32 $0xFFFFFFB0  }
0x37: {  	[tilespmem:s18], [sflag:$0x1] =	stream.indirect.gather [hbm4b:s4+s17], $0x80, s3, s17, $0xb8;
	[tilespmem:$0x161C0] =	vst v63  }
0x38: {  	_ =	swait.ge [sflag:s19], $0x2800  }
.Ltmp0:
0x39: {  	[sflag:s19] =	ssyncset.done $0x0;
	(pc) =	sbr.rel @p1 .LBB2_2-.Ltmp0, $4  }
0x3a: {  	[sflag:s19] =	ssyncadd.s32 $0xFFFFD800  }
0x3b: {  	[spmem:s1] =	stream.indirect.scatter.add.f32 [tilespmem:s18], [sflag:$0x2], $0x80, s16, s17, $0xb8;
	[tilespmem:$0x161C0] =	vst v63  }
0x3c: {  	_ =	swait.ge [sflag:s15], $0x2800  }
0x3d: {  	s22 =	smov.u32 s25;
	[sflag:s15] =	ssyncset.done $0x0  }
0x3e: {  	s22 =	sadd.s32 s21, s11;
	[sflag:s15] =	ssyncadd.s32 $0xFFFFD800  }
0x3f: {  	[tilespmem:s3], [sflag:$0x2] =	stream.linear.gather [hbm4b:s22+s3], $0x50, $0x38;
	[tilespmem:$0x161C0] =	vst v63  }
0x40: {  	_ =	swait.ge [sflag:s15], $0x50  }
0x41: {  	[sflag:s15] =	ssyncset.done $0x0  }
0x42: {  	s31 =	sadd.s32 s21, s10;
	[sflag:s15] =	ssyncadd.s32 $0xFFFFFFB0  }
0x43: {  	[tilespmem:s16], [sflag:$0x2] =	stream.linear.gather [hbm4b:s31+s3], $0x50, $0x38;
	[tilespmem:$0x161C0] =	vst v63  }
0x44: {  	_ =	swait.ge [sflag:s15], $0x50  }
0x45: {  	[sflag:s15] =	ssyncset.done $0x0  }
0x46: {  	[sflag:s15] =	ssyncadd.s32 $0xFFFFFFB0  }
0x47: {  	[tilespmem:s18], [sflag:$0x1] =	stream.indirect.gather [hbm4b:s4+s17], $0x80, s3, s17, $0xb8;
	[tilespmem:$0x161C0] =	vst v63  }
0x48: {  	_ =	swait.ge [sflag:s19], $0x2800  }
0x49: {  	[sflag:s19] =	ssyncset.done $0x0  }
0x4a: {  	[sflag:s19] =	ssyncadd.s32 $0xFFFFD800  }
0x4b: {  	[spmem:s1] =	stream.indirect.scatter.add.f32 [tilespmem:s18], [sflag:$0x2], $0x80, s16, s17, $0xb8;
	[tilespmem:$0x161C0] =	vst v63  }
0x4c: {  	_ =	swait.ge [sflag:s15], $0x2800  }
0x4d: {  	[sflag:s15] =	ssyncset.done $0x0  }
0x4e: {  	[sflag:s15] =	ssyncadd.s32 $0xFFFFD800  }
0x4f: {  	s21 =	simm.s32 @p0 $0x1FC2;
	[bflag:$0x0] =	sbarrier.arrive $0xFFFF  }
0x50: {  	[hbm:s8], [sflag:s21] =	dma.local @p0 [spmem:s12], $0x2800  }
0x51: {  	s21 =	simm.s32 @p0 $0x2  }
0x52: {  	s20 =	sadd.s32 $0x1, s20;
	_ =	swait.ge @p0 [sflag:s21], $0x2800  }
0x53: {  	p1 =	sne.s32 s20, s9;
	[sflag:s21] =	ssyncset.done @p0 $0x0  }
.Ltmp1:
0x54: {  	[sflag:s21] =	ssyncadd.s32 @p0 $0xFFFFD800;
	s21 =	simm.s32 @!p0 $0x2;
	(pc) =	sbr.rel @p1 .LBB2_1-.Ltmp1, $4  }
0x55: {  	[hbm:s7], [sflag:s13] =	dma.local @!p0 [spmem:s14], $0x2700  }
0x56: {  	_ =	swait.ge @!p0 [sflag:s21], $0x2700  }
0x57: {  	[sflag:s21] =	ssyncset.done @!p0 $0x0  }
0x58: {  	[sflag:s21] =	ssyncadd.s32 @!p0 $0xFFFFD900  }
0x59: {  	_ =	sfence.sel $0x180000  }
0x5a: {  	[bflag:$0x0] =	sbarrier.arrive $0xFFFF  }
0x5b: {  	p0 =	sne.s32 s2, $0x0;
	_ =	strace $0x9000004D  }
0x5c: {  	s0 =	sadd.s32 @!p0 $0x100000, s0;
	[bflag:$0x2] =	sbarrier.arrive $0xFFFF  }
0x5d: {  	[sflag:s0] =	ssyncadd.tile.s32 @!p0 $0x1;
	_ =	shalt  }
.Lfunc_end2:
_tile_overlayer_lowered:
.L_overlay_start_2:
0x5e: {  	(tag) =	ssettag $0x2  }
0x5f: {  	s0 =	rddreg [dreg:$0x0];
	s2 =	stileid.u32  }
0x60: {  	s1 =	rddreg [dreg:$0x1];
	p0 =	sne.s32 s2, $0x0  }
0x61: {  	s3 =	rddreg [dreg:$0x2];
	[bflag:$0x3] =	sbarrier.arrive $0xFFFF;
	s2 =	simm.s32 @!p0 $0x1C02  }
0x62: {  	[timem:s3], [sflag:s2] =	dma.local @!p0 [hbm:s0], s1  }
0x63: {  	s0 =	simm.s32 @!p0 $0x2  }
0x64: {  	_ =	swait.ge @!p0 [sflag:s0], s1  }
0x65: {  	s1 =	ssub.s32 @!p0 $0x0, s1;
	[sflag:s0] =	ssyncset.done @!p0 $0x0  }
0x66: {  	[sflag:s0] =	ssyncadd.s32 @!p0 s1  }
0x67: {  	[bflag:$0x3] =	sbarrier.arrive $0xFFFF  }
0x68: {  	_ =	shalt  }

// kernel: kernel.19.cloned.1.call-start
scs
__scs_entry_jumppad:
0x0: {  	(pc) =	sbr.rel $0x88, $3  }
0x1: {  	(tag) =	ssettag $0x0;
	lr =	simm.s32 $0x1  }
0x2: {  	[smem:$0x3F96] =	sst lr;
	_ =	strace $0xD0000000  }
0x3: {  	_ = 	snop  }
0x4: {  	_ = 	snop  }
0x5: {  	_ = 	snop  }
0x6: {  	_ = 	snop  }
0x7: {  	_ = 	snop  }
__scs_overlays_trampoline_lowered:
0x8: {  	[smem:$0x3FA5] =	sst s0  }
0x9: {  	[smem:$0x3FA6] =	sst s1  }
0xa: {  	[smem:$0x3FA7] =	sst s2  }
0xb: {  	[smem:$0x3FA8] =	sst s3  }
0xc: {  	[smem:$0x3FA9] =	sst s4  }
0xd: {  	[smem:$0x3FAA] =	sst s5  }
0xe: {  	[smem:$0x3FAB] =	sst s6  }
0xf: {  	[smem:$0x3FAC] =	sst s7  }
0x10: {  	[smem:$0x3FAD] =	sst s8  }
0x11: {  	[smem:$0x3FAE] =	sst s9;
	s0 =	simm.s32 @!p0 $0x0  }
0x12: {  	s1 =	sld [smem:$0x3F94];
	s0 =	simm.s32 @p0 $0x1  }
0x13: {  	[smem:$0x3FAF] =	sst s0;
	s0 =	simm.s32 @!p1 $0x0  }
0x14: {  	s2 =	sld [smem:$0x3F93];
	s0 =	simm.s32 @p1 $0x1  }
0x15: {  	[smem:$0x3FB0] =	sst s0;
	s0 =	simm.s32 @!p2 $0x0  }
0x16: {  	s3 =	sld [smem:$0x3FDB];
	s0 =	simm.s32 @p2 $0x1  }
0x17: {  	s4 =	simm.s32 $0x1BF5;
	[smem:$0x3FB2] =	sst s0  }
0x18: {  	s0 =	sld [smem:$0x3F95];
	_ =	swait.ge [sflag:s4], $0x0  }
0x19: {  	s7 =	sld [smem:$0x3F96]  }
0x1a: {  	s8 =	sadd.s32 $0xFFFFE003, lr  }
0x1b: {  	s9 =	sadd.s32 $0xFFFFFEF7, lr;
	s5 =	simm.s32 $0xFFFFFFFF;
	p2 =	slt.u32 s8, $0xFFFFF086  }
0x1c: {  	p1 =	slt.u32 s9, $0xF7A;
	s5 =	simm.s32 @!p2 $0x0  }
0x1d: {  	s5 =	simm.s32 @p1 $0x1;
	p0 =	seq.s32 s7, s2  }
0x1e: {  	s7 =	smul.u32 @!p0 $0xF7A, s2;
	p2 =	seq.s32 @!p0 s5, $0x0  }
0x1f: {  	s9 =	smul.u32 $0xF7A, s1;
	s8 =	simm.s32 @!p0 $0x1BF5;
	p2 =	por !p2, p0  }
0x20: {  	[sflag:s8] =	ssyncset.s32 @!p0 $0xFFFFF086;
	s6 =	sadd.s32 @!p0 s3, s7;
	s7 =	simm.s32 @!p0 $0x108  }
0x21: {  	s3 =	sadd.s32 s3, s9;
	s6 =	sadd.s32 @!p0 $0x88, s6;
	s7 =	simm.s32 @p2 $0x1082  }
0x22: {  	[simem:s7], [sflag:s8] =	dma.local @!p0 [hbm:s6], $0xF7A  }
0x23: {  	s9 =	sor.u32 $0xD0000000, s2;
	s6 =	simm.s32 $0x108;
	_ =	swait.ge @!p0 [sflag:s8], $0x0  }
0x24: {  	s3 =	sadd.s32 $0x88, s3;
	s6 =	simm.s32 @!p1 $0x1082;
	[sflag:s4] =	ssyncset.s32 $0xFFFFF086  }
0x25: {  	[simem:s6], [sflag:s4] =	dma.local [hbm:s3], $0xF7A  }
0x26: {  	[smem:$0x3F96] =	sst s1;
	(tag) =	ssettag s2;
	_ =	strace s9  }
0x27: {  	s1 =	sld [smem:$0x3FA6]  }
0x28: {  	s2 =	sld [smem:$0x3FA7]  }
0x29: {  	s4 =	sld [smem:$0x3FA9]  }
0x2a: {  	p0 =	seq.s32 s5, $0x0;
	s5 =	sld [smem:$0x3FAA]  }
0x2b: {  	s6 =	sld [smem:$0x3FAB]  }
0x2c: {  	s7 =	sld [smem:$0x3FAC]  }
0x2d: {  	s3 =	simm.s32 $0x108;
	s8 =	sld [smem:$0x3FAD]  }
0x2e: {  	s3 =	simm.s32 @!p0 $0x1082;
	s9 =	sld [smem:$0x3FAE]  }
0x2f: {  	lr =	sadd.s32 s0, s3;
	s0 =	sld [smem:$0x3FA5]  }
0x30: {  	s3 =	sld [smem:$0x3FA8]  }
0x31: {  	[smem:$0x3FB1] =	sst s10  }
0x32: {  	s10 =	sld [smem:$0x3FAF];
	_ =	sdelay $0x3  }
0x33: {  	p0 =	seq.s32 s10, $0x1;
	s10 =	sld [smem:$0x3FB1];
	_ =	sdelay $0x3  }
0x34: {  	[smem:$0x3FB1] =	sst s10  }
0x35: {  	s10 =	sld [smem:$0x3FB0];
	_ =	sdelay $0x3  }
0x36: {  	p1 =	seq.s32 s10, $0x1;
	s10 =	sld [smem:$0x3FB1];
	_ =	sdelay $0x3  }
0x37: {  	[smem:$0x3FB1] =	sst s10  }
0x38: {  	s10 =	sld [smem:$0x3FB2]  }
0x39: {  	_ = 	snop;
	(pc) =	sbr.ind lr, $3  }
0x3a: {  	_ = 	snop  }
0x3b: {  	_ = 	snop  }
0x3c: {  	p2 =	seq.s32 s10, $0x1;
	s10 =	sld [smem:$0x3FB1]  }
0x3d: {  	_ =	shalt  }
0x3e: {  	_ =	shalt  }
0x3f: {  	_ =	shalt  }
0x40: {  	_ =	shalt  }
0x41: {  	_ =	shalt  }
0x42: {  	_ =	shalt  }
0x43: {  	_ =	shalt  }
0x44: {  	_ =	shalt  }
0x45: {  	_ =	shalt  }
0x46: {  	_ =	shalt  }
0x47: {  	_ =	shalt  }
0x48: {  	_ =	shalt  }
0x49: {  	_ =	shalt  }
0x4a: {  	_ =	shalt  }
0x4b: {  	_ =	shalt  }
0x4c: {  	_ =	shalt  }
0x4d: {  	_ =	shalt  }
0x4e: {  	_ =	shalt  }
0x4f: {  	_ =	shalt  }
0x50: {  	_ =	shalt  }
0x51: {  	_ =	shalt  }
0x52: {  	_ =	shalt  }
0x53: {  	_ =	shalt  }
0x54: {  	_ =	shalt  }
0x55: {  	_ =	shalt  }
0x56: {  	_ =	shalt  }
0x57: {  	_ =	shalt  }
0x58: {  	_ =	shalt  }
0x59: {  	_ =	shalt  }
0x5a: {  	_ =	shalt  }
0x5b: {  	_ =	shalt  }
0x5c: {  	_ =	shalt  }
0x5d: {  	_ =	shalt  }
0x5e: {  	_ =	shalt  }
0x5f: {  	_ =	shalt  }
0x60: {  	_ =	shalt  }
0x61: {  	_ =	shalt  }
0x62: {  	_ =	shalt  }
0x63: {  	_ =	shalt  }
0x64: {  	_ =	shalt  }
0x65: {  	_ =	shalt  }
0x66: {  	_ =	shalt  }
0x67: {  	_ =	shalt  }
0x68: {  	_ =	shalt  }
0x69: {  	_ =	shalt  }
0x6a: {  	_ =	shalt  }
0x6b: {  	_ =	shalt  }
0x6c: {  	_ =	shalt  }
0x6d: {  	_ =	shalt  }
0x6e: {  	_ =	shalt  }
0x6f: {  	_ =	shalt  }
0x70: {  	_ =	shalt  }
0x71: {  	_ =	shalt  }
0x72: {  	_ =	shalt  }
0x73: {  	_ =	shalt  }
0x74: {  	_ =	shalt  }
0x75: {  	_ =	shalt  }
0x76: {  	_ =	shalt  }
0x77: {  	_ =	shalt  }
0x78: {  	_ =	shalt  }
0x79: {  	_ =	shalt  }
0x7a: {  	_ =	shalt  }
0x7b: {  	_ =	shalt  }
0x7c: {  	_ =	shalt  }
0x7d: {  	_ =	shalt  }
0x7e: {  	_ =	shalt  }
0x7f: {  	_ =	shalt  }
0x80: {  	_ =	shalt  }
0x81: {  	_ =	shalt  }
0x82: {  	_ =	shalt  }
0x83: {  	_ =	shalt  }
0x84: {  	_ =	shalt  }
0x85: {  	_ =	shalt  }
0x86: {  	_ =	shalt  }
0x87: {  	_ =	shalt  }
.Lfunc_end0:
.L_simem_size_0:
called_computation.3_lowered:
.L_overlay_start_0:
0x88: {  	s2 =	sld [smem:$0x3FD9]  }
0x89: {  	s3 =	sld [smem:$0x3FFE];
	_ =	sdelay $0x1  }
0x8a: {  	s1 =	srdreg.scid  }
0x8b: {  	s0 =	sand.u32 $0x1, s1  }
0x8c: {  	s14 =	sshll.u32 s0, $0xA;
	s2 =	sadd.s32 s3, s2  }
0x8d: {  	s2 =	sadd.s32 s2, s14  }
0x8e: {  	[smem:$0x3FBD] =	sst s2  }
0x8f: {  	_ = 	snop  }
0x90: {  	s2 =	sld [smem:$0x3FD0];
	_ =	sdelay $0x2  }
0x91: {  	s15 =	simm.s32 $0xA;
	s4 =	simm.s32 $0x10  }
0x92: {  	[smem:s4], [sflag:s15] =	dma.local [hbm:s2], $0x1  }
0x93: {  	_ =	swait.eq [sflag:s15], $0x1  }
0x94: {  	[sflag:s15] =	ssyncset.done $0x0  }
0x95: {  	[sflag:s15] =	ssyncadd.s32 $0xFFFFFFFF  }
0x96: {  	s16 =	sld [smem:$0x10];
	(tm) =	ssettm $0x1  }
0x97: {  	s17 =	sld [smem:$0x3FFB];
	_ =	sdelay $0x3  }
0x98: {  	_ =	strace s17  }
0x99: {  	s3 =	sld [smem:$0x3FFC];
	_ =	sdelay $0x3  }
0x9a: {  	_ =	strace s3  }
0x9b: {  	s3 =	sld [smem:$0x3FFD];
	_ =	sdelay $0x3  }
0x9c: {  	_ =	strace s3  }
0x9d: {  	_ =	strace $0x8FFFFFFF  }
0x9e: {  	s18 =	sld [smem:$0x3FDB];
	_ =	sdelay $0x1  }
0x9f: {  	s19 =	simm.s32 $_scs_section_size  }
0xa0: {  	s5 =	simm.s32 $_size__tile_overlayer_lowered;
	s6 =	simm.s32 $_tile_overlayer_lowered  }
0xa1: {  	s22 =	simm.s32 $0x1BFF;
	s21 =	sshll.u32 s6, $0x1;
	s3 =	sadd.s32 s19, s18  }
0xa2: {  	s7 =	simm.s32 $0x0;
	s20 =	sshll.u32 s5, $0x1;
	s5 =	sadd.s32 s21, s3  }
0xa3: {  	[timem:s7], [sflag:s22] =	dma.local [hbm:s5], s20  }
0xa4: {  	_ =	swait.ge [sflag:s22], s20  }
0xa5: {  	s4 =	ssub.s32 $0x0, s20;
	[sflag:s22] =	ssyncset.done $0x0  }
0xa6: {  	[sflag:s22] =	ssyncadd.s32 s4;
	_ =	sdelay $0x1  }
0xa7: {  	s23 =	simm.s32 $0x1B8B  }
0xa8: {  	_ =	swait.ge [sflag:s23], $0x1  }
0xa9: {  	[sflag:s23] =	ssyncset.done $0x0  }
0xaa: {  	s25 =	simm.s32 $0x1B8E;
	s24 =	sld [smem:$0x3FFE];
	[sflag:s23] =	ssyncadd.s32 $0xFFFFFFFF  }
0xab: {  	s26 =	simm.s32 $execute0_lowered;
	[smem:$0x3FD2] =	sst s25  }
0xac: {  	s5 =	sshll.u32 s26, $0x1;
	_ =	strace $0x8000004F;
	[dreg:$0x1] =	wrdreg $0xFFFFFFFF  }
0xad: {  	s28 =	simm.s32 $_size_execute0_lowered;
	s3 =	sadd.s32 s3, s5;
	[dreg:$0x0] =	wrdreg $0x0  }
0xae: {  	s5 =	sshll.u32 s28, $0x1;
	[dreg:$0x2] =	wrdreg s3  }
0xaf: {  	[dreg:$0x3] =	wrdreg s5  }
0xb0: {  	[dreg:$0x4] =	wrdreg $0xC0  }
0xb1: {  	_ =	task [dreg:s7], $0x5FFFF  }
0xb2: {  	[dreg:$0x1] =	wrdreg $0xFFFFFFFF  }
0xb3: {  	[dreg:$0x0] =	wrdreg $0x60  }
0xb4: {  	[dreg:$0x2] =	wrdreg s24  }
0xb5: {  	[dreg:$0x3] =	wrdreg s16  }
0xb6: {  	[dreg:$0x4] =	wrdreg $0x29000  }
0xb7: {  	[dreg:$0x5] =	wrdreg $0x9  }
0xb8: {  	_ =	task.clear_ibuf [dreg:s7], $0x6FFFF;
	_ =	strace $0x9000004F  }
0xb9: {  	s29 =	simm.s32 $0x9;
	_ =	strace $0x80000051  }
0xba: {  	_ =	swait.ge [sflag:s29], $0x1  }
0xbb: {  	[sflag:s29] =	ssyncadd.s32 $0xFFFFFFFF  }
0xbc: {  	_ =	strace $0x90000051  }
0xbd: {  	_ =	sfence  }
0xbe: {  	s30 =	sld [smem:$0x0];
	_ =	sdelay $0x2  }
0xbf: {  	s31 =	sshll.u32 s1, $0xD;
	s1 =	sshrl.u32 s1, $0x2  }
0xc0: {  	s3 =	sand.u32 $0x4000, s31;
	s1 =	sadd.s32 s1, s30  }
0xc1: {  	s0 =	sor.u32 s3, s0;
	s1 =	sshll.u32 s1, $0x11  }
0xc2: {  	s0 =	sor.u32 s1, s0  }
0xc3: {  	s0 =	sadd.s32 $0x8F2B, s0  }
0xc4: {  	[sflag:s0] =	ssyncadd.remote.s32 $0x1  }
0xc5: {  	_ =	sfence.sel $0xFFFF  }
0xc6: {  	[dreg:$0x0] =	wrdreg $0xFFFFFFFF;
	(pc) =	sbr.abs _section_cstart, $3  }
0xc7: {  	[dreg:$0x1] =	wrdreg $0xFFFFFFFF  }
0xc8: {  	_ =	task.clear_ibuf [dreg:s7], $0x2FFFF;
	_ =	strace $0x9FFFFFFF  }
0xc9: {  	(tm) =	ssettm $0x7FFFFFFF  }
tec
execute0_lowered:
.L_overlay_start_1:
0x0: {  	(tag) =	ssettag $0x1  }
0x1: {  	s6 =	rddreg [dreg:$0x0]  }
0x2: {  	s11 =	rddreg [dreg:$0x1];
	s2 =	srdreg.scid  }
0x3: {  	s1 =	rddreg [dreg:$0x2];
	s5 =	sand.u32 $0x1, s2  }
0x4: {  	s2 =	stileid.u32;
	s7 =	smul.u32 $0x28000, s5  }
0x5: {  	s0 =	rddreg [dreg:$0x3];
	s3 =	simm.s32 $0x0;
	s8 =	smul.u32 $0x2800, s2  }
0x6: {  	s18 =	simm.s32 $0x100;
	s19 =	simm.s32 $0x1;
	s9 =	smul.u32 $0x4E000, s2  }
0x7: {  	s20 =	simm.s32 $0x0;
	[smem:$0x7FF] =	sst s3;
	s25 =	smul.u32 $0x2700, s2  }
0x8: {  	s4 =	sadd.s32 $0x4000, s6;
	s15 =	sadd.s32 $0x2B200, s6;
	s10 =	smul.u32 $0x138800, s5  }
0x9: {  	_ =	strace $0x80000050;
	s26 =	ssub.s32 $0x2, s5;
	s14 =	smul.u32 $0x13800, s2  }
0xa: {  	p0 =	seq.s32 s2, $0xF;
	s28 =	sshrl.u32 s26, $0x1;
	s7 =	sadd.s32 s8, s7  }
0xb: {  	s16 =	ssub.s32 s26, s28;
	s29 =	sshrl.u32 s9, $0x2;
	s5 =	sadd.s32 s4, s25  }
0xc: {  	s30 =	sadd.s32 s14, s10;
	s14 =	sadd.s32 $0x124800, s1;
	s31 =	sshrl.u32 s10, $0x3  }
0xd: {  	s12 =	sshrl.u32 s7, $0x3;
	s17 =	sadd.s32 s29, s1;
	s7 =	sshrl.u32 s30, $0x3  }
0xe: {  	s8 =	sadd.s32 s15, s31;
	s9 =	smax.u32 s16, $0x1;
	s16 =	simm.s32 $0x80  }
0xf: {  	s13 =	sadd.s32 s12, s6;
	s6 =	sadd.s32 $0x28900, s6;
	s7 =	sadd.s32 s15, s7  }
0x10: {  	s8 =	sadd.s32 $0x24900, s8;
	s11 =	sadd.s32 s12, s11;
	s12 =	sshrl.u32 @p0 s14, $0x3  }
0x11: {  	s14 =	sshrl.u32 @!p0 s17, $0x3;
	s10 =	sadd.s32 $0x79C00, s13;
	s13 =	sshll.u32 @!p0 s2, $0x6  }
0x12: {  	s15 =	simm.s32 $0x2;
	s17 =	simm.s32 $0x50;
	s13 =	sor.u32 @!p0 $0x1C02, s13  }
.LBB2_1:
0x13: {  	s21 =	simm.s32 @p0 $0x1FC2  }
0x14: {  	[spmem:s12], [sflag:s21] =	dma.local @p0 [hbm:s6], $0x2800  }
0x15: {  	s21 =	simm.s32 @p0 $0x2  }
0x16: {  	_ =	swait.ge @p0 [sflag:s21], $0x2800  }
0x17: {  	[sflag:s21] =	ssyncset.done @p0 $0x0  }
0x18: {  	[sflag:s21] =	ssyncadd.s32 @p0 $0xFFFFD800;
	s21 =	simm.s32 @!p0 $0x2  }
0x19: {  	[spmem:s14], [sflag:s13] =	dma.local @!p0 [hbm:s5], $0x2700  }
0x1a: {  	_ =	swait.ge @!p0 [sflag:s21], $0x2700  }
0x1b: {  	[sflag:s21] =	ssyncset.done @!p0 $0x0  }
0x1c: {  	[sflag:s21] =	ssyncadd.s32 @!p0 $0xFFFFD900  }
0x1d: {  	s30 =	sadd.s32 $0x0, s11;
	[bflag:$0x0] =	sbarrier.arrive $0xFFFF  }
0x1e: {  	[tilespmem:s3], [sflag:$0x2] =	stream.linear.gather [hbm4b:s30+s3], $0x50, $0x38;
	[tilespmem:$0x161C0] =	vst v63  }
0x1f: {  	_ =	swait.ge [sflag:s15], $0x50  }
0x20: {  	[sflag:s15] =	ssyncset.done $0x0  }
0x21: {  	s31 =	sadd.s32 $0x0, s10;
	[sflag:s15] =	ssyncadd.s32 $0xFFFFFFB0  }
0x22: {  	[tilespmem:s16], [sflag:$0x2] =	stream.linear.gather [hbm4b:s31+s3], $0x50, $0x38;
	[tilespmem:$0x161C0] =	vst v63  }
0x23: {  	_ =	swait.ge [sflag:s15], $0x50  }
0x24: {  	[sflag:s15] =	ssyncset.done $0x0  }
0x25: {  	[sflag:s15] =	ssyncadd.s32 $0xFFFFFFB0  }
0x26: {  	[tilespmem:s18], [sflag:$0x1] =	stream.indirect.gather [hbm4b:s4+s17], $0x80, s3, s17, $0xb8;
	[tilespmem:$0x161C0] =	vst v63  }
0x27: {  	_ =	swait.ge [sflag:s19], $0x2800  }
0x28: {  	[sflag:s19] =	ssyncset.done $0x0  }
0x29: {  	[sflag:s19] =	ssyncadd.s32 $0xFFFFD800  }
0x2a: {  	[spmem:s1] =	stream.indirect.scatter.add.f32 [tilespmem:s18], [sflag:$0x2], $0x80, s16, s17, $0xb8;
	[tilespmem:$0x161C0] =	vst v63  }
0x2b: {  	_ =	swait.ge [sflag:s15], $0x2800  }
0x2c: {  	s22 =	simm.s32 $0x14;
	s21 =	simm.s32 $0xA;
	[sflag:s15] =	ssyncset.done $0x0  }
.LBB2_2:
0x2d: {  	s23 =	sadd.s32 s21, s11  }
0x2e: {  	[sflag:s15] =	ssyncadd.s32 $0xFFFFD800;
	s24 =	smov.u32 s22;
	s25 =	sadd.s32 $0xA, s22  }
0x2f: {  	[tilespmem:s3], [sflag:$0x2] =	stream.linear.gather [hbm4b:s23+s3], $0x50, $0x38;
	[tilespmem:$0x161C0] =	vst v63  }
0x30: {  	p1 =	sne.s32 s22, $0x4D8;
	_ =	swait.ge [sflag:s15], $0x50  }
0x31: {  	[sflag:s15] =	ssyncset.done $0x0  }
0x32: {  	s22 =	sadd.s32 s21, s10;
	s21 =	smov.u32 s24;
	[sflag:s15] =	ssyncadd.s32 $0xFFFFFFB0  }
0x33: {  	[tilespmem:s16], [sflag:$0x2] =	stream.linear.gather [hbm4b:s22+s3], $0x50, $0x38;
	[tilespmem:$0x161C0] =	vst v63  }
0x34: {  	_ =	swait.ge [sflag:s15], $0x50  }
0x35: {  	[sflag:s15] =	ssyncset.done $0x0  }
0x36: {  	[sflag:s15] =	ssyncadd.s32 $0xFFFFFFB0  }
0x37: {  	[tilespmem:s18], [sflag:$0x1] =	stream.indirect.gather [hbm4b:s4+s17], $0x80, s3, s17, $0xb8;
	[tilespmem:$0x161C0] =	vst v63  }
0x38: {  	_ =	swait.ge [sflag:s19], $0x2800  }
.Ltmp0:
0x39: {  	[sflag:s19] =	ssyncset.done $0x0;
	(pc) =	sbr.rel @p1 .LBB2_2-.Ltmp0, $4  }
0x3a: {  	[sflag:s19] =	ssyncadd.s32 $0xFFFFD800  }
0x3b: {  	[spmem:s1] =	stream.indirect.scatter.add.f32 [tilespmem:s18], [sflag:$0x2], $0x80, s16, s17, $0xb8;
	[tilespmem:$0x161C0] =	vst v63  }
0x3c: {  	_ =	swait.ge [sflag:s15], $0x2800  }
0x3d: {  	s22 =	smov.u32 s25;
	[sflag:s15] =	ssyncset.done $0x0  }
0x3e: {  	s22 =	sadd.s32 s21, s11;
	[sflag:s15] =	ssyncadd.s32 $0xFFFFD800  }
0x3f: {  	[tilespmem:s3], [sflag:$0x2] =	stream.linear.gather [hbm4b:s22+s3], $0x50, $0x38;
	[tilespmem:$0x161C0] =	vst v63  }
0x40: {  	_ =	swait.ge [sflag:s15], $0x50  }
0x41: {  	[sflag:s15] =	ssyncset.done $0x0  }
0x42: {  	s31 =	sadd.s32 s21, s10;
	[sflag:s15] =	ssyncadd.s32 $0xFFFFFFB0  }
0x43: {  	[tilespmem:s16], [sflag:$0x2] =	stream.linear.gather [hbm4b:s31+s3], $0x50, $0x38;
	[tilespmem:$0x161C0] =	vst v63  }
0x44: {  	_ =	swait.ge [sflag:s15], $0x50  }
0x45: {  	[sflag:s15] =	ssyncset.done $0x0  }
0x46: {  	[sflag:s15] =	ssyncadd.s32 $0xFFFFFFB0  }
0x47: {  	[tilespmem:s18], [sflag:$0x1] =	stream.indirect.gather [hbm4b:s4+s17], $0x80, s3, s17, $0xb8;
	[tilespmem:$0x161C0] =	vst v63  }
0x48: {  	_ =	swait.ge [sflag:s19], $0x2800  }
0x49: {  	[sflag:s19] =	ssyncset.done $0x0  }
0x4a: {  	[sflag:s19] =	ssyncadd.s32 $0xFFFFD800  }
0x4b: {  	[spmem:s1] =	stream.indirect.scatter.add.f32 [tilespmem:s18], [sflag:$0x2], $0x80, s16, s17, $0xb8;
	[tilespmem:$0x161C0] =	vst v63  }
0x4c: {  	_ =	swait.ge [sflag:s15], $0x2800  }
0x4d: {  	[sflag:s15] =	ssyncset.done $0x0  }
0x4e: {  	[sflag:s15] =	ssyncadd.s32 $0xFFFFD800  }
0x4f: {  	s21 =	simm.s32 @p0 $0x1FC2;
	[bflag:$0x0] =	sbarrier.arrive $0xFFFF  }
0x50: {  	[hbm:s8], [sflag:s21] =	dma.local @p0 [spmem:s12], $0x2800  }
0x51: {  	s21 =	simm.s32 @p0 $0x2  }
0x52: {  	s20 =	sadd.s32 $0x1, s20;
	_ =	swait.ge @p0 [sflag:s21], $0x2800  }
0x53: {  	p1 =	sne.s32 s20, s9;
	[sflag:s21] =	ssyncset.done @p0 $0x0  }
.Ltmp1:
0x54: {  	[sflag:s21] =	ssyncadd.s32 @p0 $0xFFFFD800;
	s21 =	simm.s32 @!p0 $0x2;
	(pc) =	sbr.rel @p1 .LBB2_1-.Ltmp1, $4  }
0x55: {  	[hbm:s7], [sflag:s13] =	dma.local @!p0 [spmem:s14], $0x2700  }
0x56: {  	_ =	swait.ge @!p0 [sflag:s21], $0x2700  }
0x57: {  	[sflag:s21] =	ssyncset.done @!p0 $0x0  }
0x58: {  	[sflag:s21] =	ssyncadd.s32 @!p0 $0xFFFFD900  }
0x59: {  	_ =	sfence.sel $0x180000  }
0x5a: {  	[bflag:$0x0] =	sbarrier.arrive $0xFFFF  }
0x5b: {  	p0 =	sne.s32 s2, $0x0;
	_ =	strace $0x90000050  }
0x5c: {  	s0 =	sadd.s32 @!p0 $0x100000, s0;
	[bflag:$0x2] =	sbarrier.arrive $0xFFFF  }
0x5d: {  	[sflag:s0] =	ssyncadd.tile.s32 @!p0 $0x1;
	_ =	shalt  }
.Lfunc_end2:
_tile_overlayer_lowered:
.L_overlay_start_2:
0x5e: {  	(tag) =	ssettag $0x2  }
0x5f: {  	s0 =	rddreg [dreg:$0x0];
	s2 =	stileid.u32  }
0x60: {  	s1 =	rddreg [dreg:$0x1];
	p0 =	sne.s32 s2, $0x0  }
0x61: {  	s3 =	rddreg [dreg:$0x2];
	[bflag:$0x3] =	sbarrier.arrive $0xFFFF;
	s2 =	simm.s32 @!p0 $0x1C02  }
0x62: {  	[timem:s3], [sflag:s2] =	dma.local @!p0 [hbm:s0], s1  }
0x63: {  	s0 =	simm.s32 @!p0 $0x2  }
0x64: {  	_ =	swait.ge @!p0 [sflag:s0], s1  }
0x65: {  	s1 =	ssub.s32 @!p0 $0x0, s1;
	[sflag:s0] =	ssyncset.done @!p0 $0x0  }
0x66: {  	[sflag:s0] =	ssyncadd.s32 @!p0 s1  }
0x67: {  	[bflag:$0x3] =	sbarrier.arrive $0xFFFF  }
0x68: {  	_ =	shalt  }

</sc_bundles>
